<compile_context>
chip_gen: v7x
topology: tpu7x:2x2x1
jax: 0.10.2.dev20260603
libtpu: 0.0.44.dev20260713+nightly
codegen_flags: <defaults>
</compile_context>

<pallas_src>
import functools

import jax
import jax.numpy as jnp
from jax import lax
from jax.experimental import pallas as pl
from jax.experimental.pallas import tpu as pltpu
from jax.experimental.pallas import tpu_sc as plsc

B = 16384
D = 32
NC = 2
NS = 16
L = 16
NW = NC * NS
BPW = B // NW
NG = BPW // L

_mesh = plsc.VectorSubcoreMesh(
    core_axis_name="c", subcore_axis_name="s", num_cores=NC, num_subcores=NS
)


def _sigmoid_v(x):
    return 1.0 / (1.0 + jnp.exp(-x))


@functools.partial(
    pl.kernel,
    out_type=(
        jax.ShapeDtypeStruct((B,), jnp.float32),
        jax.ShapeDtypeStruct((B,), jnp.float32),
        jax.ShapeDtypeStruct((B, D), jnp.float32),
        jax.ShapeDtypeStruct((B, D), jnp.float32),
    ),
    mesh=_mesh,
    scratch_types=[
        pltpu.VMEM((BPW,), jnp.int32),
        pltpu.VMEM((BPW, D), jnp.float32),
        pltpu.VMEM((BPW, D), jnp.float32),
        pltpu.VMEM((BPW, D), jnp.float32),
        pltpu.VMEM((BPW * L,), jnp.float32),
        pltpu.VMEM((BPW,), jnp.float32),
        pltpu.SemaphoreType.DMA,
    ],
    compiler_params=pltpu.CompilerParams(
        needs_layout_passes=False, use_tc_tiling_on_sc=False
    ),
)
def _sc_gather_score(si1, pi1, oi1, si2, pi2, oi2, si3, oi3,
                     E1, E2, R1, R2,
                     l1_out, l2_out, s3_out, o3_out,
                     idx_v, s_v, p_v, o_v, q_v, l_v, sem):
    wid = lax.axis_index("s") * NC + lax.axis_index("c")
    base = wid * BPW

    def gather(idx_hbm, table, rows_v):
        pltpu.sync_copy(idx_hbm.at[pl.ds(base, BPW)], idx_v)
        pltpu.async_copy(table.at[idx_v], rows_v, sem).wait()

    def distmult(l_hbm):
        def group_body(g, carry):
            row0 = pl.multiple_of(g * L, L)
            for i in range(L):
                r = row0 + i
                lo = (s_v[r, pl.ds(0, L)] * p_v[r, pl.ds(0, L)]
                      * o_v[r, pl.ds(0, L)])
                hi = (s_v[r, pl.ds(L, L)] * p_v[r, pl.ds(L, L)]
                      * o_v[r, pl.ds(L, L)])
                q_v[pl.ds(r * L, L)] = lo + hi
            rows16 = (row0 + lax.iota(jnp.int32, L)) * L
            acc = jnp.zeros((L,), jnp.float32)
            for c in range(L):
                acc = acc + plsc.load_gather(q_v, [rows16 + c])
            l_v[pl.ds(row0, L)] = _sigmoid_v(acc)
            return carry
        lax.fori_loop(0, NG, group_body, 0)
        pltpu.sync_copy(l_v, l_hbm.at[pl.ds(base, BPW)])

    gather(si1, E1, s_v)
    gather(pi1, R1, p_v)
    gather(oi1, E1, o_v)
    distmult(l1_out)

    gather(si2, E2, s_v)
    gather(pi2, R2, p_v)
    gather(oi2, E2, o_v)
    distmult(l2_out)

    gather(si3, E1, s_v)
    pltpu.sync_copy(s_v, s3_out.at[pl.ds(base, BPW)])
    gather(oi3, E2, o_v)
    pltpu.sync_copy(o_v, o3_out.at[pl.ds(base, BPW)])


def _mlp_body(s3_ref, o3_ref, w1a_ref, w1b_ref, b1_ref, w2_ref, b2_ref,
              out_ref):
    h = (
        jnp.dot(s3_ref[:], w1a_ref[:], preferred_element_type=jnp.float32)
        + jnp.dot(o3_ref[:], w1b_ref[:], preferred_element_type=jnp.float32)
        + b1_ref[:]
    )
    h = jnp.maximum(h, 0.0)
    z = jnp.sum(h * w2_ref[:], axis=1) + b2_ref[0]
    out_ref[:] = 1.0 / (1.0 + jnp.exp(-z))


_mlp = pl.pallas_call(
    _mlp_body,
    out_shape=jax.ShapeDtypeStruct((B,), jnp.float32),
)


def kernel(t1, t2, t3, E1, E2, R1, R2, W1, b1, gamma, beta, mov_mean,
           mov_var, W2, b2):
    si1 = t1[:, 0].astype(jnp.int32)
    pi1 = t1[:, 1].astype(jnp.int32)
    oi1 = t1[:, 2].astype(jnp.int32)
    si2 = t2[:, 0].astype(jnp.int32)
    pi2 = t2[:, 1].astype(jnp.int32)
    oi2 = t2[:, 2].astype(jnp.int32)
    si3 = t3[:, 0].astype(jnp.int32)
    oi3 = t3[:, 2].astype(jnp.int32)

    l1, l2, s3, o3 = _sc_gather_score(si1, pi1, oi1, si2, pi2, oi2, si3, oi3,
                                      E1, E2, R1, R2)

    scale = gamma / jnp.sqrt(mov_var + 1e-3)
    w1_eff = W1 * scale[None, :]
    b1_eff = (b1 - mov_mean) * scale + beta
    x = _mlp(s3, o3, w1_eff[:D], w1_eff[D:], b1_eff, W2.reshape(1, D), b2)
    return (l1, l2, x)

# --- scband reference (transcript-rebuilt; emitter-appended) ---
"""Pipeline reference for scband-link-predict-65781719105965 (READ-ONLY COPY).

The authoritative reference and input builder live on the scoring server;
editing this copy changes nothing except your own understanding.
"""

import jax, jax.numpy as jnp
import numpy as np

B = 16384
V = 1000000
D = 32


def setup_inputs(seed: int = 0) -> dict:
    key = jax.random.key(seed)
    ks = jax.random.split(key, 12)
    t1 = jax.random.randint(ks[0], (B, 3), 0, V)
    t2 = jax.random.randint(ks[1], (B, 3), 0, V)
    t3 = jax.random.randint(ks[2], (B, 3), 0, V)
    E1 = jax.random.normal(ks[3], (V, D), dtype=jnp.float32) * 0.05
    E2 = jax.random.normal(ks[4], (V, D), dtype=jnp.float32) * 0.05
    R1 = jax.random.normal(ks[5], (V, D), dtype=jnp.float32) * 0.05
    R2 = jax.random.normal(ks[6], (V, D), dtype=jnp.float32) * 0.05
    W1 = jax.random.normal(ks[7], (2 * D, 32), dtype=jnp.float32) * 0.05
    b1 = jnp.zeros((32,), dtype=jnp.float32)
    gamma = jnp.ones((32,), dtype=jnp.float32)
    beta = jnp.zeros((32,), dtype=jnp.float32)
    mov_mean = jnp.zeros((32,), dtype=jnp.float32)
    mov_var = jnp.ones((32,), dtype=jnp.float32)
    W2 = jax.random.normal(ks[8], (32, 1), dtype=jnp.float32) * 0.05
    b2 = jnp.zeros((1,), dtype=jnp.float32)
    return {"t1": t1, "t2": t2, "t3": t3, "E1": E1, "E2": E2, "R1": R1, "R2": R2,
            "W1": W1, "b1": b1, "gamma": gamma, "beta": beta,
            "mov_mean": mov_mean, "mov_var": mov_var, "W2": W2, "b2": b2}


def reference(t1, t2, t3, E1, E2, R1, R2, W1, b1, gamma, beta, mov_mean, mov_var, W2, b2):
    # embedding lookups (SparseCore gathers)
    s1 = jnp.take(E1, t1[:, 0], axis=0)
    p1 = jnp.take(R1, t1[:, 1], axis=0)
    o1 = jnp.take(E1, t1[:, 2], axis=0)
    s2 = jnp.take(E2, t2[:, 0], axis=0)
    p2 = jnp.take(R2, t2[:, 1], axis=0)
    o2 = jnp.take(E2, t2[:, 2], axis=0)
    s3 = jnp.take(E1, t3[:, 0], axis=0)
    o3 = jnp.take(E2, t3[:, 2], axis=0)
    # DistMult scoring: sigmoid(sum(s*p*o))
    l1 = jax.nn.sigmoid(jnp.sum(s1 * p1 * o1, axis=-1)).reshape(-1)
    l2 = jax.nn.sigmoid(jnp.sum(s2 * p2 * o2, axis=-1)).reshape(-1)
    # MLP head on [s3, o3]
    x = jnp.concatenate([s3, o3], axis=-1)
    x = x @ W1 + b1
    # dropout is identity at inference; BatchNorm in inference mode (keras eps=1e-3)
    x = (x - mov_mean) / jnp.sqrt(mov_var + 1e-3) * gamma + beta
    x = jax.nn.relu(x)
    x = jax.nn.sigmoid(x @ W2 + b2).reshape(-1)
    return (l1, l2, x)

if __name__ == "__main__":
    import jax
    _d = setup_inputs()
    print(jax.jit(kernel)(*tuple(_d.values())))

</pallas_src>

<mosaic_0001>
#map = affine_map<(d0, d1) -> (0)>
#map1 = affine_map<(d0, d1) -> (0, 0)>
module attributes {stable_mosaic.version = 14 : i64} {
  func.func @_sc_gather_score(%arg0: i32, %arg1: i32, %arg2: memref<16384xi32, #tpu.memory_space<hbm>>, %arg3: memref<16384xi32, #tpu.memory_space<hbm>>, %arg4: memref<16384xi32, #tpu.memory_space<hbm>>, %arg5: memref<16384xi32, #tpu.memory_space<hbm>>, %arg6: memref<16384xi32, #tpu.memory_space<hbm>>, %arg7: memref<16384xi32, #tpu.memory_space<hbm>>, %arg8: memref<16384xi32, #tpu.memory_space<hbm>>, %arg9: memref<16384xi32, #tpu.memory_space<hbm>>, %arg10: memref<1000000x32xf32, #tpu.memory_space<hbm>>, %arg11: memref<1000000x32xf32, #tpu.memory_space<hbm>>, %arg12: memref<1000000x32xf32, #tpu.memory_space<hbm>>, %arg13: memref<1000000x32xf32, #tpu.memory_space<hbm>>, %arg14: memref<16384xf32, #tpu.memory_space<hbm>>, %arg15: memref<16384xf32, #tpu.memory_space<hbm>>, %arg16: memref<16384x32xf32, #tpu.memory_space<hbm>>, %arg17: memref<16384x32xf32, #tpu.memory_space<hbm>>, %arg18: memref<512xi32, #tpu.memory_space<vmem>>, %arg19: memref<512x32xf32, #tpu.memory_space<vmem>>, %arg20: memref<512x32xf32, #tpu.memory_space<vmem>>, %arg21: memref<512x32xf32, #tpu.memory_space<vmem>>, %arg22: memref<8192xf32, #tpu.memory_space<vmem>>, %arg23: memref<512xf32, #tpu.memory_space<vmem>>, %arg24: memref<!tpu.dma_semaphore, #tpu.memory_space<semaphore_mem>>) attributes {dimension_semantics = [#tpu.dimension_semantics<core_parallel>, #tpu.dimension_semantics<subcore_parallel>], iteration_bounds = array<i64: 2, 16>, scalar_prefetch = 0 : i64, scratch_operands = 7 : i64, tpu.core_type = #tpu.core_type<sc_vector_subcore>, window_params = [{transform_indices = #map}, {transform_indices = #map}, {transform_indices = #map}, {transform_indices = #map}, {transform_indices = #map}, {transform_indices = #map}, {transform_indices = #map}, {transform_indices = #map}, {transform_indices = #map1}, {transform_indices = #map1}, {transform_indices = #map1}, {transform_indices = #map1}, {transform_indices = #map}, {transform_indices = #map}, {transform_indices = #map1}, {transform_indices = #map1}]} {
    %mul3A = arith.constant 2 : i32
    %mul3A_0 = arith.muli %arg1, %mul3A : i32
    %add3A = arith.addi %mul3A_0, %arg0 : i32
    %mul3A_1 = arith.constant 512 : i32
    %mul3A_2 = arith.muli %add3A, %mul3A_1 : i32
    "tpu.region"() ({
      %run_scoped3A = tpu.sem_alloc : memref<!tpu.dma_semaphore, #tpu.memory_space<semaphore_mem>>
      %dma_start3A_60 = tpu.memref_slice %arg2[%mul3A_2] : memref<16384xi32, #tpu.memory_space<hbm>> -> memref<512xi32, #tpu.memory_space<hbm>>
      %dma_start3A_61 = tpu.memref_slice %arg2[%mul3A_2] : memref<16384xi32, #tpu.memory_space<hbm>> -> memref<512xi32, #tpu.memory_space<hbm>>
      tpu.enqueue_dma source(%dma_start3A_61 : memref<512xi32, #tpu.memory_space<hbm>>) target(%arg18 : memref<512xi32, #tpu.memory_space<vmem>>) target_semaphore(%run_scoped3A : memref<!tpu.dma_semaphore, #tpu.memory_space<semaphore_mem>>)
      %dma_wait3A_62 = tpu.memref_slice %arg2[%mul3A_2] : memref<16384xi32, #tpu.memory_space<hbm>> -> memref<512xi32, #tpu.memory_space<hbm>>
      %dma_wait3A_63 = tpu.memref_slice %arg2[%mul3A_2] : memref<16384xi32, #tpu.memory_space<hbm>> -> memref<512xi32, #tpu.memory_space<hbm>>
      tpu.wait_dma2 semaphore(%run_scoped3A : memref<!tpu.dma_semaphore, #tpu.memory_space<semaphore_mem>>) src(%dma_wait3A_63 : memref<512xi32, #tpu.memory_space<hbm>>) dst(%arg18 : memref<512xi32, #tpu.memory_space<vmem>>)
      tpu.yield
    }) : () -> ()
    %dma_start3A = arith.constant 0 : i32
    %dma_start3A_3 = arith.constant 0 : i32
    %dma_start3A_4 = tpu.memref_slice %arg10[%dma_start3A, %dma_start3A_3] : memref<1000000x32xf32, #tpu.memory_space<hbm>> -> memref<1000000x32xf32, #tpu.memory_space<hbm>>
    tpu.enqueue_indirect_dma source(%dma_start3A_4 : memref<1000000x32xf32, #tpu.memory_space<hbm>>) target(%arg19 : memref<512x32xf32, #tpu.memory_space<vmem>>) offsets(%arg18 : memref<512xi32, #tpu.memory_space<vmem>>) semaphore(%arg24 : memref<!tpu.dma_semaphore, #tpu.memory_space<semaphore_mem>>)
    %dma_wait3A = arith.constant 0 : i32
    %dma_wait3A_5 = arith.constant 0 : i32
    %dma_wait3A_6 = tpu.memref_slice %arg10[%dma_wait3A, %dma_wait3A_5] : memref<1000000x32xf32, #tpu.memory_space<hbm>> -> memref<1000000x32xf32, #tpu.memory_space<hbm>>
    tpu.wait_indirect_dma semaphore(%arg24 : memref<!tpu.dma_semaphore, #tpu.memory_space<semaphore_mem>>) src(%dma_wait3A_6 : memref<1000000x32xf32, #tpu.memory_space<hbm>>) dst(%arg19 : memref<512x32xf32, #tpu.memory_space<vmem>>)
    "tpu.region"() ({
      %run_scoped3A = tpu.sem_alloc : memref<!tpu.dma_semaphore, #tpu.memory_space<semaphore_mem>>
      %dma_start3A_60 = tpu.memref_slice %arg3[%mul3A_2] : memref<16384xi32, #tpu.memory_space<hbm>> -> memref<512xi32, #tpu.memory_space<hbm>>
      %dma_start3A_61 = tpu.memref_slice %arg3[%mul3A_2] : memref<16384xi32, #tpu.memory_space<hbm>> -> memref<512xi32, #tpu.memory_space<hbm>>
      tpu.enqueue_dma source(%dma_start3A_61 : memref<512xi32, #tpu.memory_space<hbm>>) target(%arg18 : memref<512xi32, #tpu.memory_space<vmem>>) target_semaphore(%run_scoped3A : memref<!tpu.dma_semaphore, #tpu.memory_space<semaphore_mem>>)
      %dma_wait3A_62 = tpu.memref_slice %arg3[%mul3A_2] : memref<16384xi32, #tpu.memory_space<hbm>> -> memref<512xi32, #tpu.memory_space<hbm>>
      %dma_wait3A_63 = tpu.memref_slice %arg3[%mul3A_2] : memref<16384xi32, #tpu.memory_space<hbm>> -> memref<512xi32, #tpu.memory_space<hbm>>
      tpu.wait_dma2 semaphore(%run_scoped3A : memref<!tpu.dma_semaphore, #tpu.memory_space<semaphore_mem>>) src(%dma_wait3A_63 : memref<512xi32, #tpu.memory_space<hbm>>) dst(%arg18 : memref<512xi32, #tpu.memory_space<vmem>>)
      tpu.yield
    }) : () -> ()
    %dma_start3A_7 = arith.constant 0 : i32
    %dma_start3A_8 = arith.constant 0 : i32
    %dma_start3A_9 = tpu.memref_slice %arg12[%dma_start3A_7, %dma_start3A_8] : memref<1000000x32xf32, #tpu.memory_space<hbm>> -> memref<1000000x32xf32, #tpu.memory_space<hbm>>
    tpu.enqueue_indirect_dma source(%dma_start3A_9 : memref<1000000x32xf32, #tpu.memory_space<hbm>>) target(%arg20 : memref<512x32xf32, #tpu.memory_space<vmem>>) offsets(%arg18 : memref<512xi32, #tpu.memory_space<vmem>>) semaphore(%arg24 : memref<!tpu.dma_semaphore, #tpu.memory_space<semaphore_mem>>)
    %dma_wait3A_10 = arith.constant 0 : i32
    %dma_wait3A_11 = arith.constant 0 : i32
    %dma_wait3A_12 = tpu.memref_slice %arg12[%dma_wait3A_10, %dma_wait3A_11] : memref<1000000x32xf32, #tpu.memory_space<hbm>> -> memref<1000000x32xf32, #tpu.memory_space<hbm>>
    tpu.wait_indirect_dma semaphore(%arg24 : memref<!tpu.dma_semaphore, #tpu.memory_space<semaphore_mem>>) src(%dma_wait3A_12 : memref<1000000x32xf32, #tpu.memory_space<hbm>>) dst(%arg20 : memref<512x32xf32, #tpu.memory_space<vmem>>)
    "tpu.region"() ({
      %run_scoped3A = tpu.sem_alloc : memref<!tpu.dma_semaphore, #tpu.memory_space<semaphore_mem>>
      %dma_start3A_60 = tpu.memref_slice %arg4[%mul3A_2] : memref<16384xi32, #tpu.memory_space<hbm>> -> memref<512xi32, #tpu.memory_space<hbm>>
      %dma_start3A_61 = tpu.memref_slice %arg4[%mul3A_2] : memref<16384xi32, #tpu.memory_space<hbm>> -> memref<512xi32, #tpu.memory_space<hbm>>
      tpu.enqueue_dma source(%dma_start3A_61 : memref<512xi32, #tpu.memory_space<hbm>>) target(%arg18 : memref<512xi32, #tpu.memory_space<vmem>>) target_semaphore(%run_scoped3A : memref<!tpu.dma_semaphore, #tpu.memory_space<semaphore_mem>>)
      %dma_wait3A_62 = tpu.memref_slice %arg4[%mul3A_2] : memref<16384xi32, #tpu.memory_space<hbm>> -> memref<512xi32, #tpu.memory_space<hbm>>
      %dma_wait3A_63 = tpu.memref_slice %arg4[%mul3A_2] : memref<16384xi32, #tpu.memory_space<hbm>> -> memref<512xi32, #tpu.memory_space<hbm>>
      tpu.wait_dma2 semaphore(%run_scoped3A : memref<!tpu.dma_semaphore, #tpu.memory_space<semaphore_mem>>) src(%dma_wait3A_63 : memref<512xi32, #tpu.memory_space<hbm>>) dst(%arg18 : memref<512xi32, #tpu.memory_space<vmem>>)
      tpu.yield
    }) : () -> ()
    %dma_start3A_13 = arith.constant 0 : i32
    %dma_start3A_14 = arith.constant 0 : i32
    %dma_start3A_15 = tpu.memref_slice %arg10[%dma_start3A_13, %dma_start3A_14] : memref<1000000x32xf32, #tpu.memory_space<hbm>> -> memref<1000000x32xf32, #tpu.memory_space<hbm>>
    tpu.enqueue_indirect_dma source(%dma_start3A_15 : memref<1000000x32xf32, #tpu.memory_space<hbm>>) target(%arg21 : memref<512x32xf32, #tpu.memory_space<vmem>>) offsets(%arg18 : memref<512xi32, #tpu.memory_space<vmem>>) semaphore(%arg24 : memref<!tpu.dma_semaphore, #tpu.memory_space<semaphore_mem>>)
    %dma_wait3A_16 = arith.constant 0 : i32
    %dma_wait3A_17 = arith.constant 0 : i32
    %dma_wait3A_18 = tpu.memref_slice %arg10[%dma_wait3A_16, %dma_wait3A_17] : memref<1000000x32xf32, #tpu.memory_space<hbm>> -> memref<1000000x32xf32, #tpu.memory_space<hbm>>
    tpu.wait_indirect_dma semaphore(%arg24 : memref<!tpu.dma_semaphore, #tpu.memory_space<semaphore_mem>>) src(%dma_wait3A_18 : memref<1000000x32xf32, #tpu.memory_space<hbm>>) dst(%arg21 : memref<512x32xf32, #tpu.memory_space<vmem>>)
    %scan3A = arith.constant 0 : i32
    %scan3A_19 = arith.constant 0 : i32
    %scan3A_20 = arith.constant 32 : i32
    %scan3A_21 = arith.addi %scan3A_19, %scan3A_20 : i32
    %scan3A_22 = arith.constant 1 : i32
    scf.for %scan3A_60 = %scan3A_19 to %scan3A_21 step %scan3A_22  : i32 {
      %mul3A_61 = arith.constant 16 : i32
      %mul3A_62 = arith.muli %scan3A_60, %mul3A_61 : i32
      %multiple_of3A = tpu.assume_multiple %mul3A_62, 16 : i32
      %add3A_63 = arith.constant 0 : i32
      %add3A_64 = arith.addi %multiple_of3A, %add3A_63 : i32
      %get3A = arith.index_cast %add3A_64 : i32 to index
      %get3A_65 = arith.constant 0 : index
      %get3A_66 = tpu.vector_load %arg19[%get3A, %get3A_65] {strides = array<i32>} : memref<512x32xf32, #tpu.memory_space<vmem>>, vector<16xf32>,
      %get3A_67 = arith.index_cast %add3A_64 : i32 to index
      %get3A_68 = arith.constant 0 : index
      %get3A_69 = tpu.vector_load %arg20[%get3A_67, %get3A_68] {strides = array<i32>} : memref<512x32xf32, #tpu.memory_space<vmem>>, vector<16xf32>,
      %mul3A_70 = arith.mulf %get3A_66, %get3A_69 : vector<16xf32>
      %get3A_71 = arith.index_cast %add3A_64 : i32 to index
      %get3A_72 = arith.constant 0 : index
      %get3A_73 = tpu.vector_load %arg21[%get3A_71, %get3A_72] {strides = array<i32>} : memref<512x32xf32, #tpu.memory_space<vmem>>, vector<16xf32>,
      %mul3A_74 = arith.mulf %mul3A_70, %get3A_73 : vector<16xf32>
      %get3A_75 = arith.index_cast %add3A_64 : i32 to index
      %get3A_76 = arith.constant 16 : index
      %get3A_77 = tpu.vector_load %arg19[%get3A_75, %get3A_76] {strides = array<i32>} : memref<512x32xf32, #tpu.memory_space<vmem>>, vector<16xf32>,
      %get3A_78 = arith.index_cast %add3A_64 : i32 to index
      %get3A_79 = arith.constant 16 : index
      %get3A_80 = tpu.vector_load %arg20[%get3A_78, %get3A_79] {strides = array<i32>} : memref<512x32xf32, #tpu.memory_space<vmem>>, vector<16xf32>,
      %mul3A_81 = arith.mulf %get3A_77, %get3A_80 : vector<16xf32>
      %get3A_82 = arith.index_cast %add3A_64 : i32 to index
      %get3A_83 = arith.constant 16 : index
      %get3A_84 = tpu.vector_load %arg21[%get3A_82, %get3A_83] {strides = array<i32>} : memref<512x32xf32, #tpu.memory_space<vmem>>, vector<16xf32>,
      %mul3A_85 = arith.mulf %mul3A_81, %get3A_84 : vector<16xf32>
      %add3A_86 = arith.addf %mul3A_74, %mul3A_85 : vector<16xf32>
      %mul3A_87 = arith.constant 16 : i32
      %mul3A_88 = arith.muli %add3A_64, %mul3A_87 : i32
      %swap3A = arith.index_cast %mul3A_88 : i32 to index
      %swap3A_89 = tpu.vector_load %arg22[%swap3A] {strides = array<i32>} : memref<8192xf32, #tpu.memory_space<vmem>>, vector<16xf32>,
      tpu.vector_store %arg22[%swap3A], %add3A_86 {strides = array<i32>} : memref<8192xf32, #tpu.memory_space<vmem>>, vector<16xf32>,
      %add3A_90 = arith.constant 1 : i32
      %add3A_91 = arith.addi %multiple_of3A, %add3A_90 : i32
      %get3A_92 = arith.index_cast %add3A_91 : i32 to index
      %get3A_93 = arith.constant 0 : index
      %get3A_94 = tpu.vector_load %arg19[%get3A_92, %get3A_93] {strides = array<i32>} : memref<512x32xf32, #tpu.memory_space<vmem>>, vector<16xf32>,
      %get3A_95 = arith.index_cast %add3A_91 : i32 to index
      %get3A_96 = arith.constant 0 : index
      %get3A_97 = tpu.vector_load %arg20[%get3A_95, %get3A_96] {strides = array<i32>} : memref<512x32xf32, #tpu.memory_space<vmem>>, vector<16xf32>,
      %mul3A_98 = arith.mulf %get3A_94, %get3A_97 : vector<16xf32>
      %get3A_99 = arith.index_cast %add3A_91 : i32 to index
      %get3A_100 = arith.constant 0 : index
      %get3A_101 = tpu.vector_load %arg21[%get3A_99, %get3A_100] {strides = array<i32>} : memref<512x32xf32, #tpu.memory_space<vmem>>, vector<16xf32>,
      %mul3A_102 = arith.mulf %mul3A_98, %get3A_101 : vector<16xf32>
      %get3A_103 = arith.index_cast %add3A_91 : i32 to index
      %get3A_104 = arith.constant 16 : index
      %get3A_105 = tpu.vector_load %arg19[%get3A_103, %get3A_104] {strides = array<i32>} : memref<512x32xf32, #tpu.memory_space<vmem>>, vector<16xf32>,
      %get3A_106 = arith.index_cast %add3A_91 : i32 to index
      %get3A_107 = arith.constant 16 : index
      %get3A_108 = tpu.vector_load %arg20[%get3A_106, %get3A_107] {strides = array<i32>} : memref<512x32xf32, #tpu.memory_space<vmem>>, vector<16xf32>,
      %mul3A_109 = arith.mulf %get3A_105, %get3A_108 : vector<16xf32>
      %get3A_110 = arith.index_cast %add3A_91 : i32 to index
      %get3A_111 = arith.constant 16 : index
      %get3A_112 = tpu.vector_load %arg21[%get3A_110, %get3A_111] {strides = array<i32>} : memref<512x32xf32, #tpu.memory_space<vmem>>, vector<16xf32>,
      %mul3A_113 = arith.mulf %mul3A_109, %get3A_112 : vector<16xf32>
      %add3A_114 = arith.addf %mul3A_102, %mul3A_113 : vector<16xf32>
      %mul3A_115 = arith.constant 16 : i32
      %mul3A_116 = arith.muli %add3A_91, %mul3A_115 : i32
      %swap3A_117 = arith.index_cast %mul3A_116 : i32 to index
      %swap3A_118 = tpu.vector_load %arg22[%swap3A_117] {strides = array<i32>} : memref<8192xf32, #tpu.memory_space<vmem>>, vector<16xf32>,
      tpu.vector_store %arg22[%swap3A_117], %add3A_114 {strides = array<i32>} : memref<8192xf32, #tpu.memory_space<vmem>>, vector<16xf32>,
      %add3A_119 = arith.constant 2 : i32
      %add3A_120 = arith.addi %multiple_of3A, %add3A_119 : i32
      %get3A_121 = arith.index_cast %add3A_120 : i32 to index
      %get3A_122 = arith.constant 0 : index
      %get3A_123 = tpu.vector_load %arg19[%get3A_121, %get3A_122] {strides = array<i32>} : memref<512x32xf32, #tpu.memory_space<vmem>>, vector<16xf32>,
      %get3A_124 = arith.index_cast %add3A_120 : i32 to index
      %get3A_125 = arith.constant 0 : index
      %get3A_126 = tpu.vector_load %arg20[%get3A_124, %get3A_125] {strides = array<i32>} : memref<512x32xf32, #tpu.memory_space<vmem>>, vector<16xf32>,
      %mul3A_127 = arith.mulf %get3A_123, %get3A_126 : vector<16xf32>
      %get3A_128 = arith.index_cast %add3A_120 : i32 to index
      %get3A_129 = arith.constant 0 : index
      %get3A_130 = tpu.vector_load %arg21[%get3A_128, %get3A_129] {strides = array<i32>} : memref<512x32xf32, #tpu.memory_space<vmem>>, vector<16xf32>,
      %mul3A_131 = arith.mulf %mul3A_127, %get3A_130 : vector<16xf32>
      %get3A_132 = arith.index_cast %add3A_120 : i32 to index
      %get3A_133 = arith.constant 16 : index
      %get3A_134 = tpu.vector_load %arg19[%get3A_132, %get3A_133] {strides = array<i32>} : memref<512x32xf32, #tpu.memory_space<vmem>>, vector<16xf32>,
      %get3A_135 = arith.index_cast %add3A_120 : i32 to index
      %get3A_136 = arith.constant 16 : index
      %get3A_137 = tpu.vector_load %arg20[%get3A_135, %get3A_136] {strides = array<i32>} : memref<512x32xf32, #tpu.memory_space<vmem>>, vector<16xf32>,
      %mul3A_138 = arith.mulf %get3A_134, %get3A_137 : vector<16xf32>
      %get3A_139 = arith.index_cast %add3A_120 : i32 to index
      %get3A_140 = arith.constant 16 : index
      %get3A_141 = tpu.vector_load %arg21[%get3A_139, %get3A_140] {strides = array<i32>} : memref<512x32xf32, #tpu.memory_space<vmem>>, vector<16xf32>,
      %mul3A_142 = arith.mulf %mul3A_138, %get3A_141 : vector<16xf32>
      %add3A_143 = arith.addf %mul3A_131, %mul3A_142 : vector<16xf32>
      %mul3A_144 = arith.constant 16 : i32
      %mul3A_145 = arith.muli %add3A_120, %mul3A_144 : i32
      %swap3A_146 = arith.index_cast %mul3A_145 : i32 to index
      %swap3A_147 = tpu.vector_load %arg22[%swap3A_146] {strides = array<i32>} : memref<8192xf32, #tpu.memory_space<vmem>>, vector<16xf32>,
      tpu.vector_store %arg22[%swap3A_146], %add3A_143 {strides = array<i32>} : memref<8192xf32, #tpu.memory_space<vmem>>, vector<16xf32>,
      %add3A_148 = arith.constant 3 : i32
      %add3A_149 = arith.addi %multiple_of3A, %add3A_148 : i32
      %get3A_150 = arith.index_cast %add3A_149 : i32 to index
      %get3A_151 = arith.constant 0 : index
      %get3A_152 = tpu.vector_load %arg19[%get3A_150, %get3A_151] {strides = array<i32>} : memref<512x32xf32, #tpu.memory_space<vmem>>, vector<16xf32>,
      %get3A_153 = arith.index_cast %add3A_149 : i32 to index
      %get3A_154 = arith.constant 0 : index
      %get3A_155 = tpu.vector_load %arg20[%get3A_153, %get3A_154] {strides = array<i32>} : memref<512x32xf32, #tpu.memory_space<vmem>>, vector<16xf32>,
      %mul3A_156 = arith.mulf %get3A_152, %get3A_155 : vector<16xf32>
      %get3A_157 = arith.index_cast %add3A_149 : i32 to index
      %get3A_158 = arith.constant 0 : index
      %get3A_159 = tpu.vector_load %arg21[%get3A_157, %get3A_158] {strides = array<i32>} : memref<512x32xf32, #tpu.memory_space<vmem>>, vector<16xf32>,
      %mul3A_160 = arith.mulf %mul3A_156, %get3A_159 : vector<16xf32>
      %get3A_161 = arith.index_cast %add3A_149 : i32 to index
      %get3A_162 = arith.constant 16 : index
      %get3A_163 = tpu.vector_load %arg19[%get3A_161, %get3A_162] {strides = array<i32>} : memref<512x32xf32, #tpu.memory_space<vmem>>, vector<16xf32>,
      %get3A_164 = arith.index_cast %add3A_149 : i32 to index
      %get3A_165 = arith.constant 16 : index
      %get3A_166 = tpu.vector_load %arg20[%get3A_164, %get3A_165] {strides = array<i32>} : memref<512x32xf32, #tpu.memory_space<vmem>>, vector<16xf32>,
      %mul3A_167 = arith.mulf %get3A_163, %get3A_166 : vector<16xf32>
      %get3A_168 = arith.index_cast %add3A_149 : i32 to index
      %get3A_169 = arith.constant 16 : index
      %get3A_170 = tpu.vector_load %arg21[%get3A_168, %get3A_169] {strides = array<i32>} : memref<512x32xf32, #tpu.memory_space<vmem>>, vector<16xf32>,
      %mul3A_171 = arith.mulf %mul3A_167, %get3A_170 : vector<16xf32>
      %add3A_172 = arith.addf %mul3A_160, %mul3A_171 : vector<16xf32>
      %mul3A_173 = arith.constant 16 : i32
      %mul3A_174 = arith.muli %add3A_149, %mul3A_173 : i32
      %swap3A_175 = arith.index_cast %mul3A_174 : i32 to index
      %swap3A_176 = tpu.vector_load %arg22[%swap3A_175] {strides = array<i32>} : memref<8192xf32, #tpu.memory_space<vmem>>, vector<16xf32>,
      tpu.vector_store %arg22[%swap3A_175], %add3A_172 {strides = array<i32>} : memref<8192xf32, #tpu.memory_space<vmem>>, vector<16xf32>,
      %add3A_177 = arith.constant 4 : i32
      %add3A_178 = arith.addi %multiple_of3A, %add3A_177 : i32
      %get3A_179 = arith.index_cast %add3A_178 : i32 to index
      %get3A_180 = arith.constant 0 : index
      %get3A_181 = tpu.vector_load %arg19[%get3A_179, %get3A_180] {strides = array<i32>} : memref<512x32xf32, #tpu.memory_space<vmem>>, vector<16xf32>,
      %get3A_182 = arith.index_cast %add3A_178 : i32 to index
      %get3A_183 = arith.constant 0 : index
      %get3A_184 = tpu.vector_load %arg20[%get3A_182, %get3A_183] {strides = array<i32>} : memref<512x32xf32, #tpu.memory_space<vmem>>, vector<16xf32>,
      %mul3A_185 = arith.mulf %get3A_181, %get3A_184 : vector<16xf32>
      %get3A_186 = arith.index_cast %add3A_178 : i32 to index
      %get3A_187 = arith.constant 0 : index
      %get3A_188 = tpu.vector_load %arg21[%get3A_186, %get3A_187] {strides = array<i32>} : memref<512x32xf32, #tpu.memory_space<vmem>>, vector<16xf32>,
      %mul3A_189 = arith.mulf %mul3A_185, %get3A_188 : vector<16xf32>
      %get3A_190 = arith.index_cast %add3A_178 : i32 to index
      %get3A_191 = arith.constant 16 : index
      %get3A_192 = tpu.vector_load %arg19[%get3A_190, %get3A_191] {strides = array<i32>} : memref<512x32xf32, #tpu.memory_space<vmem>>, vector<16xf32>,
      %get3A_193 = arith.index_cast %add3A_178 : i32 to index
      %get3A_194 = arith.constant 16 : index
      %get3A_195 = tpu.vector_load %arg20[%get3A_193, %get3A_194] {strides = array<i32>} : memref<512x32xf32, #tpu.memory_space<vmem>>, vector<16xf32>,
      %mul3A_196 = arith.mulf %get3A_192, %get3A_195 : vector<16xf32>
      %get3A_197 = arith.index_cast %add3A_178 : i32 to index
      %get3A_198 = arith.constant 16 : index
      %get3A_199 = tpu.vector_load %arg21[%get3A_197, %get3A_198] {strides = array<i32>} : memref<512x32xf32, #tpu.memory_space<vmem>>, vector<16xf32>,
      %mul3A_200 = arith.mulf %mul3A_196, %get3A_199 : vector<16xf32>
      %add3A_201 = arith.addf %mul3A_189, %mul3A_200 : vector<16xf32>
      %mul3A_202 = arith.constant 16 : i32
      %mul3A_203 = arith.muli %add3A_178, %mul3A_202 : i32
      %swap3A_204 = arith.index_cast %mul3A_203 : i32 to index
      %swap3A_205 = tpu.vector_load %arg22[%swap3A_204] {strides = array<i32>} : memref<8192xf32, #tpu.memory_space<vmem>>, vector<16xf32>,
      tpu.vector_store %arg22[%swap3A_204], %add3A_201 {strides = array<i32>} : memref<8192xf32, #tpu.memory_space<vmem>>, vector<16xf32>,
      %add3A_206 = arith.constant 5 : i32
      %add3A_207 = arith.addi %multiple_of3A, %add3A_206 : i32
      %get3A_208 = arith.index_cast %add3A_207 : i32 to index
      %get3A_209 = arith.constant 0 : index
      %get3A_210 = tpu.vector_load %arg19[%get3A_208, %get3A_209] {strides = array<i32>} : memref<512x32xf32, #tpu.memory_space<vmem>>, vector<16xf32>,
      %get3A_211 = arith.index_cast %add3A_207 : i32 to index
      %get3A_212 = arith.constant 0 : index
      %get3A_213 = tpu.vector_load %arg20[%get3A_211, %get3A_212] {strides = array<i32>} : memref<512x32xf32, #tpu.memory_space<vmem>>, vector<16xf32>,
      %mul3A_214 = arith.mulf %get3A_210, %get3A_213 : vector<16xf32>
      %get3A_215 = arith.index_cast %add3A_207 : i32 to index
      %get3A_216 = arith.constant 0 : index
      %get3A_217 = tpu.vector_load %arg21[%get3A_215, %get3A_216] {strides = array<i32>} : memref<512x32xf32, #tpu.memory_space<vmem>>, vector<16xf32>,
      %mul3A_218 = arith.mulf %mul3A_214, %get3A_217 : vector<16xf32>
      %get3A_219 = arith.index_cast %add3A_207 : i32 to index
      %get3A_220 = arith.constant 16 : index
      %get3A_221 = tpu.vector_load %arg19[%get3A_219, %get3A_220] {strides = array<i32>} : memref<512x32xf32, #tpu.memory_space<vmem>>, vector<16xf32>,
      %get3A_222 = arith.index_cast %add3A_207 : i32 to index
      %get3A_223 = arith.constant 16 : index
      %get3A_224 = tpu.vector_load %arg20[%get3A_222, %get3A_223] {strides = array<i32>} : memref<512x32xf32, #tpu.memory_space<vmem>>, vector<16xf32>,
      %mul3A_225 = arith.mulf %get3A_221, %get3A_224 : vector<16xf32>
      %get3A_226 = arith.index_cast %add3A_207 : i32 to index
      %get3A_227 = arith.constant 16 : index
      %get3A_228 = tpu.vector_load %arg21[%get3A_226, %get3A_227] {strides = array<i32>} : memref<512x32xf32, #tpu.memory_space<vmem>>, vector<16xf32>,
      %mul3A_229 = arith.mulf %mul3A_225, %get3A_228 : vector<16xf32>
      %add3A_230 = arith.addf %mul3A_218, %mul3A_229 : vector<16xf32>
      %mul3A_231 = arith.constant 16 : i32
      %mul3A_232 = arith.muli %add3A_207, %mul3A_231 : i32
      %swap3A_233 = arith.index_cast %mul3A_232 : i32 to index
      %swap3A_234 = tpu.vector_load %arg22[%swap3A_233] {strides = array<i32>} : memref<8192xf32, #tpu.memory_space<vmem>>, vector<16xf32>,
      tpu.vector_store %arg22[%swap3A_233], %add3A_230 {strides = array<i32>} : memref<8192xf32, #tpu.memory_space<vmem>>, vector<16xf32>,
      %add3A_235 = arith.constant 6 : i32
      %add3A_236 = arith.addi %multiple_of3A, %add3A_235 : i32
      %get3A_237 = arith.index_cast %add3A_236 : i32 to index
      %get3A_238 = arith.constant 0 : index
      %get3A_239 = tpu.vector_load %arg19[%get3A_237, %get3A_238] {strides = array<i32>} : memref<512x32xf32, #tpu.memory_space<vmem>>, vector<16xf32>,
      %get3A_240 = arith.index_cast %add3A_236 : i32 to index
      %get3A_241 = arith.constant 0 : index
      %get3A_242 = tpu.vector_load %arg20[%get3A_240, %get3A_241] {strides = array<i32>} : memref<512x32xf32, #tpu.memory_space<vmem>>, vector<16xf32>,
      %mul3A_243 = arith.mulf %get3A_239, %get3A_242 : vector<16xf32>
      %get3A_244 = arith.index_cast %add3A_236 : i32 to index
      %get3A_245 = arith.constant 0 : index
      %get3A_246 = tpu.vector_load %arg21[%get3A_244, %get3A_245] {strides = array<i32>} : memref<512x32xf32, #tpu.memory_space<vmem>>, vector<16xf32>,
      %mul3A_247 = arith.mulf %mul3A_243, %get3A_246 : vector<16xf32>
      %get3A_248 = arith.index_cast %add3A_236 : i32 to index
      %get3A_249 = arith.constant 16 : index
      %get3A_250 = tpu.vector_load %arg19[%get3A_248, %get3A_249] {strides = array<i32>} : memref<512x32xf32, #tpu.memory_space<vmem>>, vector<16xf32>,
      %get3A_251 = arith.index_cast %add3A_236 : i32 to index
      %get3A_252 = arith.constant 16 : index
      %get3A_253 = tpu.vector_load %arg20[%get3A_251, %get3A_252] {strides = array<i32>} : memref<512x32xf32, #tpu.memory_space<vmem>>, vector<16xf32>,
      %mul3A_254 = arith.mulf %get3A_250, %get3A_253 : vector<16xf32>
      %get3A_255 = arith.index_cast %add3A_236 : i32 to index
      %get3A_256 = arith.constant 16 : index
      %get3A_257 = tpu.vector_load %arg21[%get3A_255, %get3A_256] {strides = array<i32>} : memref<512x32xf32, #tpu.memory_space<vmem>>, vector<16xf32>,
      %mul3A_258 = arith.mulf %mul3A_254, %get3A_257 : vector<16xf32>
      %add3A_259 = arith.addf %mul3A_247, %mul3A_258 : vector<16xf32>
      %mul3A_260 = arith.constant 16 : i32
      %mul3A_261 = arith.muli %add3A_236, %mul3A_260 : i32
      %swap3A_262 = arith.index_cast %mul3A_261 : i32 to index
      %swap3A_263 = tpu.vector_load %arg22[%swap3A_262] {strides = array<i32>} : memref<8192xf32, #tpu.memory_space<vmem>>, vector<16xf32>,
      tpu.vector_store %arg22[%swap3A_262], %add3A_259 {strides = array<i32>} : memref<8192xf32, #tpu.memory_space<vmem>>, vector<16xf32>,
      %add3A_264 = arith.constant 7 : i32
      %add3A_265 = arith.addi %multiple_of3A, %add3A_264 : i32
      %get3A_266 = arith.index_cast %add3A_265 : i32 to index
      %get3A_267 = arith.constant 0 : index
      %get3A_268 = tpu.vector_load %arg19[%get3A_266, %get3A_267] {strides = array<i32>} : memref<512x32xf32, #tpu.memory_space<vmem>>, vector<16xf32>,
      %get3A_269 = arith.index_cast %add3A_265 : i32 to index
      %get3A_270 = arith.constant 0 : index
      %get3A_271 = tpu.vector_load %arg20[%get3A_269, %get3A_270] {strides = array<i32>} : memref<512x32xf32, #tpu.memory_space<vmem>>, vector<16xf32>,
      %mul3A_272 = arith.mulf %get3A_268, %get3A_271 : vector<16xf32>
      %get3A_273 = arith.index_cast %add3A_265 : i32 to index
      %get3A_274 = arith.constant 0 : index
      %get3A_275 = tpu.vector_load %arg21[%get3A_273, %get3A_274] {strides = array<i32>} : memref<512x32xf32, #tpu.memory_space<vmem>>, vector<16xf32>,
      %mul3A_276 = arith.mulf %mul3A_272, %get3A_275 : vector<16xf32>
      %get3A_277 = arith.index_cast %add3A_265 : i32 to index
      %get3A_278 = arith.constant 16 : index
      %get3A_279 = tpu.vector_load %arg19[%get3A_277, %get3A_278] {strides = array<i32>} : memref<512x32xf32, #tpu.memory_space<vmem>>, vector<16xf32>,
      %get3A_280 = arith.index_cast %add3A_265 : i32 to index
      %get3A_281 = arith.constant 16 : index
      %get3A_282 = tpu.vector_load %arg20[%get3A_280, %get3A_281] {strides = array<i32>} : memref<512x32xf32, #tpu.memory_space<vmem>>, vector<16xf32>,
      %mul3A_283 = arith.mulf %get3A_279, %get3A_282 : vector<16xf32>
      %get3A_284 = arith.index_cast %add3A_265 : i32 to index
      %get3A_285 = arith.constant 16 : index
      %get3A_286 = tpu.vector_load %arg21[%get3A_284, %get3A_285] {strides = array<i32>} : memref<512x32xf32, #tpu.memory_space<vmem>>, vector<16xf32>,
      %mul3A_287 = arith.mulf %mul3A_283, %get3A_286 : vector<16xf32>
      %add3A_288 = arith.addf %mul3A_276, %mul3A_287 : vector<16xf32>
      %mul3A_289 = arith.constant 16 : i32
      %mul3A_290 = arith.muli %add3A_265, %mul3A_289 : i32
      %swap3A_291 = arith.index_cast %mul3A_290 : i32 to index
      %swap3A_292 = tpu.vector_load %arg22[%swap3A_291] {strides = array<i32>} : memref<8192xf32, #tpu.memory_space<vmem>>, vector<16xf32>,
      tpu.vector_store %arg22[%swap3A_291], %add3A_288 {strides = array<i32>} : memref<8192xf32, #tpu.memory_space<vmem>>, vector<16xf32>,
      %add3A_293 = arith.constant 8 : i32
      %add3A_294 = arith.addi %multiple_of3A, %add3A_293 : i32
      %get3A_295 = arith.index_cast %add3A_294 : i32 to index
      %get3A_296 = arith.constant 0 : index
      %get3A_297 = tpu.vector_load %arg19[%get3A_295, %get3A_296] {strides = array<i32>} : memref<512x32xf32, #tpu.memory_space<vmem>>, vector<16xf32>,
      %get3A_298 = arith.index_cast %add3A_294 : i32 to index
      %get3A_299 = arith.constant 0 : index
      %get3A_300 = tpu.vector_load %arg20[%get3A_298, %get3A_299] {strides = array<i32>} : memref<512x32xf32, #tpu.memory_space<vmem>>, vector<16xf32>,
      %mul3A_301 = arith.mulf %get3A_297, %get3A_300 : vector<16xf32>
      %get3A_302 = arith.index_cast %add3A_294 : i32 to index
      %get3A_303 = arith.constant 0 : index
      %get3A_304 = tpu.vector_load %arg21[%get3A_302, %get3A_303] {strides = array<i32>} : memref<512x32xf32, #tpu.memory_space<vmem>>, vector<16xf32>,
      %mul3A_305 = arith.mulf %mul3A_301, %get3A_304 : vector<16xf32>
      %get3A_306 = arith.index_cast %add3A_294 : i32 to index
      %get3A_307 = arith.constant 16 : index
      %get3A_308 = tpu.vector_load %arg19[%get3A_306, %get3A_307] {strides = array<i32>} : memref<512x32xf32, #tpu.memory_space<vmem>>, vector<16xf32>,
      %get3A_309 = arith.index_cast %add3A_294 : i32 to index
      %get3A_310 = arith.constant 16 : index
      %get3A_311 = tpu.vector_load %arg20[%get3A_309, %get3A_310] {strides = array<i32>} : memref<512x32xf32, #tpu.memory_space<vmem>>, vector<16xf32>,
      %mul3A_312 = arith.mulf %get3A_308, %get3A_311 : vector<16xf32>
      %get3A_313 = arith.index_cast %add3A_294 : i32 to index
      %get3A_314 = arith.constant 16 : index
      %get3A_315 = tpu.vector_load %arg21[%get3A_313, %get3A_314] {strides = array<i32>} : memref<512x32xf32, #tpu.memory_space<vmem>>, vector<16xf32>,
      %mul3A_316 = arith.mulf %mul3A_312, %get3A_315 : vector<16xf32>
      %add3A_317 = arith.addf %mul3A_305, %mul3A_316 : vector<16xf32>
      %mul3A_318 = arith.constant 16 : i32
      %mul3A_319 = arith.muli %add3A_294, %mul3A_318 : i32
      %swap3A_320 = arith.index_cast %mul3A_319 : i32 to index
      %swap3A_321 = tpu.vector_load %arg22[%swap3A_320] {strides = array<i32>} : memref<8192xf32, #tpu.memory_space<vmem>>, vector<16xf32>,
      tpu.vector_store %arg22[%swap3A_320], %add3A_317 {strides = array<i32>} : memref<8192xf32, #tpu.memory_space<vmem>>, vector<16xf32>,
      %add3A_322 = arith.constant 9 : i32
      %add3A_323 = arith.addi %multiple_of3A, %add3A_322 : i32
      %get3A_324 = arith.index_cast %add3A_323 : i32 to index
      %get3A_325 = arith.constant 0 : index
      %get3A_326 = tpu.vector_load %arg19[%get3A_324, %get3A_325] {strides = array<i32>} : memref<512x32xf32, #tpu.memory_space<vmem>>, vector<16xf32>,
      %get3A_327 = arith.index_cast %add3A_323 : i32 to index
      %get3A_328 = arith.constant 0 : index
      %get3A_329 = tpu.vector_load %arg20[%get3A_327, %get3A_328] {strides = array<i32>} : memref<512x32xf32, #tpu.memory_space<vmem>>, vector<16xf32>,
      %mul3A_330 = arith.mulf %get3A_326, %get3A_329 : vector<16xf32>
      %get3A_331 = arith.index_cast %add3A_323 : i32 to index
      %get3A_332 = arith.constant 0 : index
      %get3A_333 = tpu.vector_load %arg21[%get3A_331, %get3A_332] {strides = array<i32>} : memref<512x32xf32, #tpu.memory_space<vmem>>, vector<16xf32>,
      %mul3A_334 = arith.mulf %mul3A_330, %get3A_333 : vector<16xf32>
      %get3A_335 = arith.index_cast %add3A_323 : i32 to index
      %get3A_336 = arith.constant 16 : index
      %get3A_337 = tpu.vector_load %arg19[%get3A_335, %get3A_336] {strides = array<i32>} : memref<512x32xf32, #tpu.memory_space<vmem>>, vector<16xf32>,
      %get3A_338 = arith.index_cast %add3A_323 : i32 to index
      %get3A_339 = arith.constant 16 : index
      %get3A_340 = tpu.vector_load %arg20[%get3A_338, %get3A_339] {strides = array<i32>} : memref<512x32xf32, #tpu.memory_space<vmem>>, vector<16xf32>,
      %mul3A_341 = arith.mulf %get3A_337, %get3A_340 : vector<16xf32>
      %get3A_342 = arith.index_cast %add3A_323 : i32 to index
      %get3A_343 = arith.constant 16 : index
      %get3A_344 = tpu.vector_load %arg21[%get3A_342, %get3A_343] {strides = array<i32>} : memref<512x32xf32, #tpu.memory_space<vmem>>, vector<16xf32>,
      %mul3A_345 = arith.mulf %mul3A_341, %get3A_344 : vector<16xf32>
      %add3A_346 = arith.addf %mul3A_334, %mul3A_345 : vector<16xf32>
      %mul3A_347 = arith.constant 16 : i32
      %mul3A_348 = arith.muli %add3A_323, %mul3A_347 : i32
      %swap3A_349 = arith.index_cast %mul3A_348 : i32 to index
      %swap3A_350 = tpu.vector_load %arg22[%swap3A_349] {strides = array<i32>} : memref<8192xf32, #tpu.memory_space<vmem>>, vector<16xf32>,
      tpu.vector_store %arg22[%swap3A_349], %add3A_346 {strides = array<i32>} : memref<8192xf32, #tpu.memory_space<vmem>>, vector<16xf32>,
      %add3A_351 = arith.constant 10 : i32
      %add3A_352 = arith.addi %multiple_of3A, %add3A_351 : i32
      %get3A_353 = arith.index_cast %add3A_352 : i32 to index
      %get3A_354 = arith.constant 0 : index
      %get3A_355 = tpu.vector_load %arg19[%get3A_353, %get3A_354] {strides = array<i32>} : memref<512x32xf32, #tpu.memory_space<vmem>>, vector<16xf32>,
      %get3A_356 = arith.index_cast %add3A_352 : i32 to index
      %get3A_357 = arith.constant 0 : index
      %get3A_358 = tpu.vector_load %arg20[%get3A_356, %get3A_357] {strides = array<i32>} : memref<512x32xf32, #tpu.memory_space<vmem>>, vector<16xf32>,
      %mul3A_359 = arith.mulf %get3A_355, %get3A_358 : vector<16xf32>
      %get3A_360 = arith.index_cast %add3A_352 : i32 to index
      %get3A_361 = arith.constant 0 : index
      %get3A_362 = tpu.vector_load %arg21[%get3A_360, %get3A_361] {strides = array<i32>} : memref<512x32xf32, #tpu.memory_space<vmem>>, vector<16xf32>,
      %mul3A_363 = arith.mulf %mul3A_359, %get3A_362 : vector<16xf32>
      %get3A_364 = arith.index_cast %add3A_352 : i32 to index
      %get3A_365 = arith.constant 16 : index
      %get3A_366 = tpu.vector_load %arg19[%get3A_364, %get3A_365] {strides = array<i32>} : memref<512x32xf32, #tpu.memory_space<vmem>>, vector<16xf32>,
      %get3A_367 = arith.index_cast %add3A_352 : i32 to index
      %get3A_368 = arith.constant 16 : index
      %get3A_369 = tpu.vector_load %arg20[%get3A_367, %get3A_368] {strides = array<i32>} : memref<512x32xf32, #tpu.memory_space<vmem>>, vector<16xf32>,
      %mul3A_370 = arith.mulf %get3A_366, %get3A_369 : vector<16xf32>
      %get3A_371 = arith.index_cast %add3A_352 : i32 to index
      %get3A_372 = arith.constant 16 : index
      %get3A_373 = tpu.vector_load %arg21[%get3A_371, %get3A_372] {strides = array<i32>} : memref<512x32xf32, #tpu.memory_space<vmem>>, vector<16xf32>,
      %mul3A_374 = arith.mulf %mul3A_370, %get3A_373 : vector<16xf32>
      %add3A_375 = arith.addf %mul3A_363, %mul3A_374 : vector<16xf32>
      %mul3A_376 = arith.constant 16 : i32
      %mul3A_377 = arith.muli %add3A_352, %mul3A_376 : i32
      %swap3A_378 = arith.index_cast %mul3A_377 : i32 to index
      %swap3A_379 = tpu.vector_load %arg22[%swap3A_378] {strides = array<i32>} : memref<8192xf32, #tpu.memory_space<vmem>>, vector<16xf32>,
      tpu.vector_store %arg22[%swap3A_378], %add3A_375 {strides = array<i32>} : memref<8192xf32, #tpu.memory_space<vmem>>, vector<16xf32>,
      %add3A_380 = arith.constant 11 : i32
      %add3A_381 = arith.addi %multiple_of3A, %add3A_380 : i32
      %get3A_382 = arith.index_cast %add3A_381 : i32 to index
      %get3A_383 = arith.constant 0 : index
      %get3A_384 = tpu.vector_load %arg19[%get3A_382, %get3A_383] {strides = array<i32>} : memref<512x32xf32, #tpu.memory_space<vmem>>, vector<16xf32>,
      %get3A_385 = arith.index_cast %add3A_381 : i32 to index
      %get3A_386 = arith.constant 0 : index
      %get3A_387 = tpu.vector_load %arg20[%get3A_385, %get3A_386] {strides = array<i32>} : memref<512x32xf32, #tpu.memory_space<vmem>>, vector<16xf32>,
      %mul3A_388 = arith.mulf %get3A_384, %get3A_387 : vector<16xf32>
      %get3A_389 = arith.index_cast %add3A_381 : i32 to index
      %get3A_390 = arith.constant 0 : index
      %get3A_391 = tpu.vector_load %arg21[%get3A_389, %get3A_390] {strides = array<i32>} : memref<512x32xf32, #tpu.memory_space<vmem>>, vector<16xf32>,
      %mul3A_392 = arith.mulf %mul3A_388, %get3A_391 : vector<16xf32>
      %get3A_393 = arith.index_cast %add3A_381 : i32 to index
      %get3A_394 = arith.constant 16 : index
      %get3A_395 = tpu.vector_load %arg19[%get3A_393, %get3A_394] {strides = array<i32>} : memref<512x32xf32, #tpu.memory_space<vmem>>, vector<16xf32>,
      %get3A_396 = arith.index_cast %add3A_381 : i32 to index
      %get3A_397 = arith.constant 16 : index
      %get3A_398 = tpu.vector_load %arg20[%get3A_396, %get3A_397] {strides = array<i32>} : memref<512x32xf32, #tpu.memory_space<vmem>>, vector<16xf32>,
      %mul3A_399 = arith.mulf %get3A_395, %get3A_398 : vector<16xf32>
      %get3A_400 = arith.index_cast %add3A_381 : i32 to index
      %get3A_401 = arith.constant 16 : index
      %get3A_402 = tpu.vector_load %arg21[%get3A_400, %get3A_401] {strides = array<i32>} : memref<512x32xf32, #tpu.memory_space<vmem>>, vector<16xf32>,
      %mul3A_403 = arith.mulf %mul3A_399, %get3A_402 : vector<16xf32>
      %add3A_404 = arith.addf %mul3A_392, %mul3A_403 : vector<16xf32>
      %mul3A_405 = arith.constant 16 : i32
      %mul3A_406 = arith.muli %add3A_381, %mul3A_405 : i32
      %swap3A_407 = arith.index_cast %mul3A_406 : i32 to index
      %swap3A_408 = tpu.vector_load %arg22[%swap3A_407] {strides = array<i32>} : memref<8192xf32, #tpu.memory_space<vmem>>, vector<16xf32>,
      tpu.vector_store %arg22[%swap3A_407], %add3A_404 {strides = array<i32>} : memref<8192xf32, #tpu.memory_space<vmem>>, vector<16xf32>,
      %add3A_409 = arith.constant 12 : i32
      %add3A_410 = arith.addi %multiple_of3A, %add3A_409 : i32
      %get3A_411 = arith.index_cast %add3A_410 : i32 to index
      %get3A_412 = arith.constant 0 : index
      %get3A_413 = tpu.vector_load %arg19[%get3A_411, %get3A_412] {strides = array<i32>} : memref<512x32xf32, #tpu.memory_space<vmem>>, vector<16xf32>,
      %get3A_414 = arith.index_cast %add3A_410 : i32 to index
      %get3A_415 = arith.constant 0 : index
      %get3A_416 = tpu.vector_load %arg20[%get3A_414, %get3A_415] {strides = array<i32>} : memref<512x32xf32, #tpu.memory_space<vmem>>, vector<16xf32>,
      %mul3A_417 = arith.mulf %get3A_413, %get3A_416 : vector<16xf32>
      %get3A_418 = arith.index_cast %add3A_410 : i32 to index
      %get3A_419 = arith.constant 0 : index
      %get3A_420 = tpu.vector_load %arg21[%get3A_418, %get3A_419] {strides = array<i32>} : memref<512x32xf32, #tpu.memory_space<vmem>>, vector<16xf32>,
      %mul3A_421 = arith.mulf %mul3A_417, %get3A_420 : vector<16xf32>
      %get3A_422 = arith.index_cast %add3A_410 : i32 to index
      %get3A_423 = arith.constant 16 : index
      %get3A_424 = tpu.vector_load %arg19[%get3A_422, %get3A_423] {strides = array<i32>} : memref<512x32xf32, #tpu.memory_space<vmem>>, vector<16xf32>,
      %get3A_425 = arith.index_cast %add3A_410 : i32 to index
      %get3A_426 = arith.constant 16 : index
      %get3A_427 = tpu.vector_load %arg20[%get3A_425, %get3A_426] {strides = array<i32>} : memref<512x32xf32, #tpu.memory_space<vmem>>, vector<16xf32>,
      %mul3A_428 = arith.mulf %get3A_424, %get3A_427 : vector<16xf32>
      %get3A_429 = arith.index_cast %add3A_410 : i32 to index
      %get3A_430 = arith.constant 16 : index
      %get3A_431 = tpu.vector_load %arg21[%get3A_429, %get3A_430] {strides = array<i32>} : memref<512x32xf32, #tpu.memory_space<vmem>>, vector<16xf32>,
      %mul3A_432 = arith.mulf %mul3A_428, %get3A_431 : vector<16xf32>
      %add3A_433 = arith.addf %mul3A_421, %mul3A_432 : vector<16xf32>
      %mul3A_434 = arith.constant 16 : i32
      %mul3A_435 = arith.muli %add3A_410, %mul3A_434 : i32
      %swap3A_436 = arith.index_cast %mul3A_435 : i32 to index
      %swap3A_437 = tpu.vector_load %arg22[%swap3A_436] {strides = array<i32>} : memref<8192xf32, #tpu.memory_space<vmem>>, vector<16xf32>,
      tpu.vector_store %arg22[%swap3A_436], %add3A_433 {strides = array<i32>} : memref<8192xf32, #tpu.memory_space<vmem>>, vector<16xf32>,
      %add3A_438 = arith.constant 13 : i32
      %add3A_439 = arith.addi %multiple_of3A, %add3A_438 : i32
      %get3A_440 = arith.index_cast %add3A_439 : i32 to index
      %get3A_441 = arith.constant 0 : index
      %get3A_442 = tpu.vector_load %arg19[%get3A_440, %get3A_441] {strides = array<i32>} : memref<512x32xf32, #tpu.memory_space<vmem>>, vector<16xf32>,
      %get3A_443 = arith.index_cast %add3A_439 : i32 to index
      %get3A_444 = arith.constant 0 : index
      %get3A_445 = tpu.vector_load %arg20[%get3A_443, %get3A_444] {strides = array<i32>} : memref<512x32xf32, #tpu.memory_space<vmem>>, vector<16xf32>,
      %mul3A_446 = arith.mulf %get3A_442, %get3A_445 : vector<16xf32>
      %get3A_447 = arith.index_cast %add3A_439 : i32 to index
      %get3A_448 = arith.constant 0 : index
      %get3A_449 = tpu.vector_load %arg21[%get3A_447, %get3A_448] {strides = array<i32>} : memref<512x32xf32, #tpu.memory_space<vmem>>, vector<16xf32>,
      %mul3A_450 = arith.mulf %mul3A_446, %get3A_449 : vector<16xf32>
      %get3A_451 = arith.index_cast %add3A_439 : i32 to index
      %get3A_452 = arith.constant 16 : index
      %get3A_453 = tpu.vector_load %arg19[%get3A_451, %get3A_452] {strides = array<i32>} : memref<512x32xf32, #tpu.memory_space<vmem>>, vector<16xf32>,
      %get3A_454 = arith.index_cast %add3A_439 : i32 to index
      %get3A_455 = arith.constant 16 : index
      %get3A_456 = tpu.vector_load %arg20[%get3A_454, %get3A_455] {strides = array<i32>} : memref<512x32xf32, #tpu.memory_space<vmem>>, vector<16xf32>,
      %mul3A_457 = arith.mulf %get3A_453, %get3A_456 : vector<16xf32>
      %get3A_458 = arith.index_cast %add3A_439 : i32 to index
      %get3A_459 = arith.constant 16 : index
      %get3A_460 = tpu.vector_load %arg21[%get3A_458, %get3A_459] {strides = array<i32>} : memref<512x32xf32, #tpu.memory_space<vmem>>, vector<16xf32>,
      %mul3A_461 = arith.mulf %mul3A_457, %get3A_460 : vector<16xf32>
      %add3A_462 = arith.addf %mul3A_450, %mul3A_461 : vector<16xf32>
      %mul3A_463 = arith.constant 16 : i32
      %mul3A_464 = arith.muli %add3A_439, %mul3A_463 : i32
      %swap3A_465 = arith.index_cast %mul3A_464 : i32 to index
      %swap3A_466 = tpu.vector_load %arg22[%swap3A_465] {strides = array<i32>} : memref<8192xf32, #tpu.memory_space<vmem>>, vector<16xf32>,
      tpu.vector_store %arg22[%swap3A_465], %add3A_462 {strides = array<i32>} : memref<8192xf32, #tpu.memory_space<vmem>>, vector<16xf32>,
      %add3A_467 = arith.constant 14 : i32
      %add3A_468 = arith.addi %multiple_of3A, %add3A_467 : i32
      %get3A_469 = arith.index_cast %add3A_468 : i32 to index
      %get3A_470 = arith.constant 0 : index
      %get3A_471 = tpu.vector_load %arg19[%get3A_469, %get3A_470] {strides = array<i32>} : memref<512x32xf32, #tpu.memory_space<vmem>>, vector<16xf32>,
      %get3A_472 = arith.index_cast %add3A_468 : i32 to index
      %get3A_473 = arith.constant 0 : index
      %get3A_474 = tpu.vector_load %arg20[%get3A_472, %get3A_473] {strides = array<i32>} : memref<512x32xf32, #tpu.memory_space<vmem>>, vector<16xf32>,
      %mul3A_475 = arith.mulf %get3A_471, %get3A_474 : vector<16xf32>
      %get3A_476 = arith.index_cast %add3A_468 : i32 to index
      %get3A_477 = arith.constant 0 : index
      %get3A_478 = tpu.vector_load %arg21[%get3A_476, %get3A_477] {strides = array<i32>} : memref<512x32xf32, #tpu.memory_space<vmem>>, vector<16xf32>,
      %mul3A_479 = arith.mulf %mul3A_475, %get3A_478 : vector<16xf32>
      %get3A_480 = arith.index_cast %add3A_468 : i32 to index
      %get3A_481 = arith.constant 16 : index
      %get3A_482 = tpu.vector_load %arg19[%get3A_480, %get3A_481] {strides = array<i32>} : memref<512x32xf32, #tpu.memory_space<vmem>>, vector<16xf32>,
      %get3A_483 = arith.index_cast %add3A_468 : i32 to index
      %get3A_484 = arith.constant 16 : index
      %get3A_485 = tpu.vector_load %arg20[%get3A_483, %get3A_484] {strides = array<i32>} : memref<512x32xf32, #tpu.memory_space<vmem>>, vector<16xf32>,
      %mul3A_486 = arith.mulf %get3A_482, %get3A_485 : vector<16xf32>
      %get3A_487 = arith.index_cast %add3A_468 : i32 to index
      %get3A_488 = arith.constant 16 : index
      %get3A_489 = tpu.vector_load %arg21[%get3A_487, %get3A_488] {strides = array<i32>} : memref<512x32xf32, #tpu.memory_space<vmem>>, vector<16xf32>,
      %mul3A_490 = arith.mulf %mul3A_486, %get3A_489 : vector<16xf32>
      %add3A_491 = arith.addf %mul3A_479, %mul3A_490 : vector<16xf32>
      %mul3A_492 = arith.constant 16 : i32
      %mul3A_493 = arith.muli %add3A_468, %mul3A_492 : i32
      %swap3A_494 = arith.index_cast %mul3A_493 : i32 to index
      %swap3A_495 = tpu.vector_load %arg22[%swap3A_494] {strides = array<i32>} : memref<8192xf32, #tpu.memory_space<vmem>>, vector<16xf32>,
      tpu.vector_store %arg22[%swap3A_494], %add3A_491 {strides = array<i32>} : memref<8192xf32, #tpu.memory_space<vmem>>, vector<16xf32>,
      %add3A_496 = arith.constant 15 : i32
      %add3A_497 = arith.addi %multiple_of3A, %add3A_496 : i32
      %get3A_498 = arith.index_cast %add3A_497 : i32 to index
      %get3A_499 = arith.constant 0 : index
      %get3A_500 = tpu.vector_load %arg19[%get3A_498, %get3A_499] {strides = array<i32>} : memref<512x32xf32, #tpu.memory_space<vmem>>, vector<16xf32>,
      %get3A_501 = arith.index_cast %add3A_497 : i32 to index
      %get3A_502 = arith.constant 0 : index
      %get3A_503 = tpu.vector_load %arg20[%get3A_501, %get3A_502] {strides = array<i32>} : memref<512x32xf32, #tpu.memory_space<vmem>>, vector<16xf32>,
      %mul3A_504 = arith.mulf %get3A_500, %get3A_503 : vector<16xf32>
      %get3A_505 = arith.index_cast %add3A_497 : i32 to index
      %get3A_506 = arith.constant 0 : index
      %get3A_507 = tpu.vector_load %arg21[%get3A_505, %get3A_506] {strides = array<i32>} : memref<512x32xf32, #tpu.memory_space<vmem>>, vector<16xf32>,
      %mul3A_508 = arith.mulf %mul3A_504, %get3A_507 : vector<16xf32>
      %get3A_509 = arith.index_cast %add3A_497 : i32 to index
      %get3A_510 = arith.constant 16 : index
      %get3A_511 = tpu.vector_load %arg19[%get3A_509, %get3A_510] {strides = array<i32>} : memref<512x32xf32, #tpu.memory_space<vmem>>, vector<16xf32>,
      %get3A_512 = arith.index_cast %add3A_497 : i32 to index
      %get3A_513 = arith.constant 16 : index
      %get3A_514 = tpu.vector_load %arg20[%get3A_512, %get3A_513] {strides = array<i32>} : memref<512x32xf32, #tpu.memory_space<vmem>>, vector<16xf32>,
      %mul3A_515 = arith.mulf %get3A_511, %get3A_514 : vector<16xf32>
      %get3A_516 = arith.index_cast %add3A_497 : i32 to index
      %get3A_517 = arith.constant 16 : index
      %get3A_518 = tpu.vector_load %arg21[%get3A_516, %get3A_517] {strides = array<i32>} : memref<512x32xf32, #tpu.memory_space<vmem>>, vector<16xf32>,
      %mul3A_519 = arith.mulf %mul3A_515, %get3A_518 : vector<16xf32>
      %add3A_520 = arith.addf %mul3A_508, %mul3A_519 : vector<16xf32>
      %mul3A_521 = arith.constant 16 : i32
      %mul3A_522 = arith.muli %add3A_497, %mul3A_521 : i32
      %swap3A_523 = arith.index_cast %mul3A_522 : i32 to index
      %swap3A_524 = tpu.vector_load %arg22[%swap3A_523] {strides = array<i32>} : memref<8192xf32, #tpu.memory_space<vmem>>, vector<16xf32>,
      tpu.vector_store %arg22[%swap3A_523], %add3A_520 {strides = array<i32>} : memref<8192xf32, #tpu.memory_space<vmem>>, vector<16xf32>,
      %iota3A = tpu.iota {dimensions = array<i32: 0>} : vector<16xi32>
      %add3A_525 = vector.broadcast %multiple_of3A : i32 to vector<16xi32>
      %add3A_526 = arith.addi %add3A_525, %iota3A : vector<16xi32>
      %mul3A_527 = arith.constant 16 : i32
      %mul3A_528 = vector.broadcast %mul3A_527 : i32 to vector<16xi32>
      %mul3A_529 = arith.muli %add3A_526, %mul3A_528 : vector<16xi32>
      %broadcast_in_dim3A = arith.constant 0.000000e+00 : f32
      %broadcast_in_dim3A_530 = vector.broadcast %broadcast_in_dim3A : f32 to vector<16xf32>
      %add3A_531 = arith.constant 0 : i32
      %add3A_532 = vector.broadcast %add3A_531 : i32 to vector<16xi32>
      %add3A_533 = arith.addi %mul3A_529, %add3A_532 : vector<16xi32>
      %gather3A = tpu.vector_load_idx %arg22[%add3A_533] : memref<8192xf32, #tpu.memory_space<vmem>>[vector<16xi32>], vector<16xf32>,
      %add3A_534 = arith.addf %broadcast_in_dim3A_530, %gather3A : vector<16xf32>
      %add3A_535 = arith.constant 1 : i32
      %add3A_536 = vector.broadcast %add3A_535 : i32 to vector<16xi32>
      %add3A_537 = arith.addi %mul3A_529, %add3A_536 : vector<16xi32>
      %gather3A_538 = tpu.vector_load_idx %arg22[%add3A_537] : memref<8192xf32, #tpu.memory_space<vmem>>[vector<16xi32>], vector<16xf32>,
      %add3A_539 = arith.addf %add3A_534, %gather3A_538 : vector<16xf32>
      %add3A_540 = arith.constant 2 : i32
      %add3A_541 = vector.broadcast %add3A_540 : i32 to vector<16xi32>
      %add3A_542 = arith.addi %mul3A_529, %add3A_541 : vector<16xi32>
      %gather3A_543 = tpu.vector_load_idx %arg22[%add3A_542] : memref<8192xf32, #tpu.memory_space<vmem>>[vector<16xi32>], vector<16xf32>,
      %add3A_544 = arith.addf %add3A_539, %gather3A_543 : vector<16xf32>
      %add3A_545 = arith.constant 3 : i32
      %add3A_546 = vector.broadcast %add3A_545 : i32 to vector<16xi32>
      %add3A_547 = arith.addi %mul3A_529, %add3A_546 : vector<16xi32>
      %gather3A_548 = tpu.vector_load_idx %arg22[%add3A_547] : memref<8192xf32, #tpu.memory_space<vmem>>[vector<16xi32>], vector<16xf32>,
      %add3A_549 = arith.addf %add3A_544, %gather3A_548 : vector<16xf32>
      %add3A_550 = arith.constant 4 : i32
      %add3A_551 = vector.broadcast %add3A_550 : i32 to vector<16xi32>
      %add3A_552 = arith.addi %mul3A_529, %add3A_551 : vector<16xi32>
      %gather3A_553 = tpu.vector_load_idx %arg22[%add3A_552] : memref<8192xf32, #tpu.memory_space<vmem>>[vector<16xi32>], vector<16xf32>,
      %add3A_554 = arith.addf %add3A_549, %gather3A_553 : vector<16xf32>
      %add3A_555 = arith.constant 5 : i32
      %add3A_556 = vector.broadcast %add3A_555 : i32 to vector<16xi32>
      %add3A_557 = arith.addi %mul3A_529, %add3A_556 : vector<16xi32>
      %gather3A_558 = tpu.vector_load_idx %arg22[%add3A_557] : memref<8192xf32, #tpu.memory_space<vmem>>[vector<16xi32>], vector<16xf32>,
      %add3A_559 = arith.addf %add3A_554, %gather3A_558 : vector<16xf32>
      %add3A_560 = arith.constant 6 : i32
      %add3A_561 = vector.broadcast %add3A_560 : i32 to vector<16xi32>
      %add3A_562 = arith.addi %mul3A_529, %add3A_561 : vector<16xi32>
      %gather3A_563 = tpu.vector_load_idx %arg22[%add3A_562] : memref<8192xf32, #tpu.memory_space<vmem>>[vector<16xi32>], vector<16xf32>,
      %add3A_564 = arith.addf %add3A_559, %gather3A_563 : vector<16xf32>
      %add3A_565 = arith.constant 7 : i32
      %add3A_566 = vector.broadcast %add3A_565 : i32 to vector<16xi32>
      %add3A_567 = arith.addi %mul3A_529, %add3A_566 : vector<16xi32>
      %gather3A_568 = tpu.vector_load_idx %arg22[%add3A_567] : memref<8192xf32, #tpu.memory_space<vmem>>[vector<16xi32>], vector<16xf32>,
      %add3A_569 = arith.addf %add3A_564, %gather3A_568 : vector<16xf32>
      %add3A_570 = arith.constant 8 : i32
      %add3A_571 = vector.broadcast %add3A_570 : i32 to vector<16xi32>
      %add3A_572 = arith.addi %mul3A_529, %add3A_571 : vector<16xi32>
      %gather3A_573 = tpu.vector_load_idx %arg22[%add3A_572] : memref<8192xf32, #tpu.memory_space<vmem>>[vector<16xi32>], vector<16xf32>,
      %add3A_574 = arith.addf %add3A_569, %gather3A_573 : vector<16xf32>
      %add3A_575 = arith.constant 9 : i32
      %add3A_576 = vector.broadcast %add3A_575 : i32 to vector<16xi32>
      %add3A_577 = arith.addi %mul3A_529, %add3A_576 : vector<16xi32>
      %gather3A_578 = tpu.vector_load_idx %arg22[%add3A_577] : memref<8192xf32, #tpu.memory_space<vmem>>[vector<16xi32>], vector<16xf32>,
      %add3A_579 = arith.addf %add3A_574, %gather3A_578 : vector<16xf32>
      %add3A_580 = arith.constant 10 : i32
      %add3A_581 = vector.broadcast %add3A_580 : i32 to vector<16xi32>
      %add3A_582 = arith.addi %mul3A_529, %add3A_581 : vector<16xi32>
      %gather3A_583 = tpu.vector_load_idx %arg22[%add3A_582] : memref<8192xf32, #tpu.memory_space<vmem>>[vector<16xi32>], vector<16xf32>,
      %add3A_584 = arith.addf %add3A_579, %gather3A_583 : vector<16xf32>
      %add3A_585 = arith.constant 11 : i32
      %add3A_586 = vector.broadcast %add3A_585 : i32 to vector<16xi32>
      %add3A_587 = arith.addi %mul3A_529, %add3A_586 : vector<16xi32>
      %gather3A_588 = tpu.vector_load_idx %arg22[%add3A_587] : memref<8192xf32, #tpu.memory_space<vmem>>[vector<16xi32>], vector<16xf32>,
      %add3A_589 = arith.addf %add3A_584, %gather3A_588 : vector<16xf32>
      %add3A_590 = arith.constant 12 : i32
      %add3A_591 = vector.broadcast %add3A_590 : i32 to vector<16xi32>
      %add3A_592 = arith.addi %mul3A_529, %add3A_591 : vector<16xi32>
      %gather3A_593 = tpu.vector_load_idx %arg22[%add3A_592] : memref<8192xf32, #tpu.memory_space<vmem>>[vector<16xi32>], vector<16xf32>,
      %add3A_594 = arith.addf %add3A_589, %gather3A_593 : vector<16xf32>
      %add3A_595 = arith.constant 13 : i32
      %add3A_596 = vector.broadcast %add3A_595 : i32 to vector<16xi32>
      %add3A_597 = arith.addi %mul3A_529, %add3A_596 : vector<16xi32>
      %gather3A_598 = tpu.vector_load_idx %arg22[%add3A_597] : memref<8192xf32, #tpu.memory_space<vmem>>[vector<16xi32>], vector<16xf32>,
      %add3A_599 = arith.addf %add3A_594, %gather3A_598 : vector<16xf32>
      %add3A_600 = arith.constant 14 : i32
      %add3A_601 = vector.broadcast %add3A_600 : i32 to vector<16xi32>
      %add3A_602 = arith.addi %mul3A_529, %add3A_601 : vector<16xi32>
      %gather3A_603 = tpu.vector_load_idx %arg22[%add3A_602] : memref<8192xf32, #tpu.memory_space<vmem>>[vector<16xi32>], vector<16xf32>,
      %add3A_604 = arith.addf %add3A_599, %gather3A_603 : vector<16xf32>
      %add3A_605 = arith.constant 15 : i32
      %add3A_606 = vector.broadcast %add3A_605 : i32 to vector<16xi32>
      %add3A_607 = arith.addi %mul3A_529, %add3A_606 : vector<16xi32>
      %gather3A_608 = tpu.vector_load_idx %arg22[%add3A_607] : memref<8192xf32, #tpu.memory_space<vmem>>[vector<16xi32>], vector<16xf32>,
      %add3A_609 = arith.addf %add3A_604, %gather3A_608 : vector<16xf32>
      %neg3A = arith.constant 0.000000e+00 : f32
      %neg3A_610 = vector.broadcast %neg3A : f32 to vector<16xf32>
      %neg3A_611 = arith.subf %neg3A_610, %add3A_609 : vector<16xf32>
      %exp3A = math.exp %neg3A_611 : vector<16xf32>
      %add3A_612 = arith.constant 1.000000e+00 : f32
      %add3A_613 = vector.broadcast %add3A_612 : f32 to vector<16xf32>
      %add3A_614 = arith.addf %add3A_613, %exp3A : vector<16xf32>
      %div3A = arith.constant 1.000000e+00 : f32
      %div3A_615 = vector.broadcast %div3A : f32 to vector<16xf32>
      %div3A_616 = arith.divf %div3A_615, %add3A_614 : vector<16xf32>
      %swap3A_617 = arith.index_cast %multiple_of3A : i32 to index
      %swap3A_618 = tpu.vector_load %arg23[%swap3A_617] {strides = array<i32>} : memref<512xf32, #tpu.memory_space<vmem>>, vector<16xf32>,
      tpu.vector_store %arg23[%swap3A_617], %div3A_616 {strides = array<i32>} : memref<512xf32, #tpu.memory_space<vmem>>, vector<16xf32>,
    }
    %scan3A_23 = arith.constant 32 : i32
    "tpu.region"() ({
      %run_scoped3A = tpu.sem_alloc : memref<!tpu.dma_semaphore, #tpu.memory_space<semaphore_mem>>
      %dma_start3A_60 = tpu.memref_slice %arg14[%mul3A_2] : memref<16384xf32, #tpu.memory_space<hbm>> -> memref<512xf32, #tpu.memory_space<hbm>>
      %dma_start3A_61 = tpu.memref_slice %arg14[%mul3A_2] : memref<16384xf32, #tpu.memory_space<hbm>> -> memref<512xf32, #tpu.memory_space<hbm>>
      tpu.enqueue_dma source(%arg23 : memref<512xf32, #tpu.memory_space<vmem>>) target(%dma_start3A_61 : memref<512xf32, #tpu.memory_space<hbm>>) target_semaphore(%run_scoped3A : memref<!tpu.dma_semaphore, #tpu.memory_space<semaphore_mem>>)
      %dma_wait3A_62 = tpu.memref_slice %arg14[%mul3A_2] : memref<16384xf32, #tpu.memory_space<hbm>> -> memref<512xf32, #tpu.memory_space<hbm>>
      %dma_wait3A_63 = tpu.memref_slice %arg14[%mul3A_2] : memref<16384xf32, #tpu.memory_space<hbm>> -> memref<512xf32, #tpu.memory_space<hbm>>
      tpu.wait_dma2 semaphore(%run_scoped3A : memref<!tpu.dma_semaphore, #tpu.memory_space<semaphore_mem>>) src(%arg23 : memref<512xf32, #tpu.memory_space<vmem>>) dst(%dma_wait3A_63 : memref<512xf32, #tpu.memory_space<hbm>>)
      tpu.yield
    }) : () -> ()
    "tpu.region"() ({
      %run_scoped3A = tpu.sem_alloc : memref<!tpu.dma_semaphore, #tpu.memory_space<semaphore_mem>>
      %dma_start3A_60 = tpu.memref_slice %arg5[%mul3A_2] : memref<16384xi32, #tpu.memory_space<hbm>> -> memref<512xi32, #tpu.memory_space<hbm>>
      %dma_start3A_61 = tpu.memref_slice %arg5[%mul3A_2] : memref<16384xi32, #tpu.memory_space<hbm>> -> memref<512xi32, #tpu.memory_space<hbm>>
      tpu.enqueue_dma source(%dma_start3A_61 : memref<512xi32, #tpu.memory_space<hbm>>) target(%arg18 : memref<512xi32, #tpu.memory_space<vmem>>) target_semaphore(%run_scoped3A : memref<!tpu.dma_semaphore, #tpu.memory_space<semaphore_mem>>)
      %dma_wait3A_62 = tpu.memref_slice %arg5[%mul3A_2] : memref<16384xi32, #tpu.memory_space<hbm>> -> memref<512xi32, #tpu.memory_space<hbm>>
      %dma_wait3A_63 = tpu.memref_slice %arg5[%mul3A_2] : memref<16384xi32, #tpu.memory_space<hbm>> -> memref<512xi32, #tpu.memory_space<hbm>>
      tpu.wait_dma2 semaphore(%run_scoped3A : memref<!tpu.dma_semaphore, #tpu.memory_space<semaphore_mem>>) src(%dma_wait3A_63 : memref<512xi32, #tpu.memory_space<hbm>>) dst(%arg18 : memref<512xi32, #tpu.memory_space<vmem>>)
      tpu.yield
    }) : () -> ()
    %dma_start3A_24 = arith.constant 0 : i32
    %dma_start3A_25 = arith.constant 0 : i32
    %dma_start3A_26 = tpu.memref_slice %arg11[%dma_start3A_24, %dma_start3A_25] : memref<1000000x32xf32, #tpu.memory_space<hbm>> -> memref<1000000x32xf32, #tpu.memory_space<hbm>>
    tpu.enqueue_indirect_dma source(%dma_start3A_26 : memref<1000000x32xf32, #tpu.memory_space<hbm>>) target(%arg19 : memref<512x32xf32, #tpu.memory_space<vmem>>) offsets(%arg18 : memref<512xi32, #tpu.memory_space<vmem>>) semaphore(%arg24 : memref<!tpu.dma_semaphore, #tpu.memory_space<semaphore_mem>>)
    %dma_wait3A_27 = arith.constant 0 : i32
    %dma_wait3A_28 = arith.constant 0 : i32
    %dma_wait3A_29 = tpu.memref_slice %arg11[%dma_wait3A_27, %dma_wait3A_28] : memref<1000000x32xf32, #tpu.memory_space<hbm>> -> memref<1000000x32xf32, #tpu.memory_space<hbm>>
    tpu.wait_indirect_dma semaphore(%arg24 : memref<!tpu.dma_semaphore, #tpu.memory_space<semaphore_mem>>) src(%dma_wait3A_29 : memref<1000000x32xf32, #tpu.memory_space<hbm>>) dst(%arg19 : memref<512x32xf32, #tpu.memory_space<vmem>>)
    "tpu.region"() ({
      %run_scoped3A = tpu.sem_alloc : memref<!tpu.dma_semaphore, #tpu.memory_space<semaphore_mem>>
      %dma_start3A_60 = tpu.memref_slice %arg6[%mul3A_2] : memref<16384xi32, #tpu.memory_space<hbm>> -> memref<512xi32, #tpu.memory_space<hbm>>
      %dma_start3A_61 = tpu.memref_slice %arg6[%mul3A_2] : memref<16384xi32, #tpu.memory_space<hbm>> -> memref<512xi32, #tpu.memory_space<hbm>>
      tpu.enqueue_dma source(%dma_start3A_61 : memref<512xi32, #tpu.memory_space<hbm>>) target(%arg18 : memref<512xi32, #tpu.memory_space<vmem>>) target_semaphore(%run_scoped3A : memref<!tpu.dma_semaphore, #tpu.memory_space<semaphore_mem>>)
      %dma_wait3A_62 = tpu.memref_slice %arg6[%mul3A_2] : memref<16384xi32, #tpu.memory_space<hbm>> -> memref<512xi32, #tpu.memory_space<hbm>>
      %dma_wait3A_63 = tpu.memref_slice %arg6[%mul3A_2] : memref<16384xi32, #tpu.memory_space<hbm>> -> memref<512xi32, #tpu.memory_space<hbm>>
      tpu.wait_dma2 semaphore(%run_scoped3A : memref<!tpu.dma_semaphore, #tpu.memory_space<semaphore_mem>>) src(%dma_wait3A_63 : memref<512xi32, #tpu.memory_space<hbm>>) dst(%arg18 : memref<512xi32, #tpu.memory_space<vmem>>)
      tpu.yield
    }) : () -> ()
    %dma_start3A_30 = arith.constant 0 : i32
    %dma_start3A_31 = arith.constant 0 : i32
    %dma_start3A_32 = tpu.memref_slice %arg13[%dma_start3A_30, %dma_start3A_31] : memref<1000000x32xf32, #tpu.memory_space<hbm>> -> memref<1000000x32xf32, #tpu.memory_space<hbm>>
    tpu.enqueue_indirect_dma source(%dma_start3A_32 : memref<1000000x32xf32, #tpu.memory_space<hbm>>) target(%arg20 : memref<512x32xf32, #tpu.memory_space<vmem>>) offsets(%arg18 : memref<512xi32, #tpu.memory_space<vmem>>) semaphore(%arg24 : memref<!tpu.dma_semaphore, #tpu.memory_space<semaphore_mem>>)
    %dma_wait3A_33 = arith.constant 0 : i32
    %dma_wait3A_34 = arith.constant 0 : i32
    %dma_wait3A_35 = tpu.memref_slice %arg13[%dma_wait3A_33, %dma_wait3A_34] : memref<1000000x32xf32, #tpu.memory_space<hbm>> -> memref<1000000x32xf32, #tpu.memory_space<hbm>>
    tpu.wait_indirect_dma semaphore(%arg24 : memref<!tpu.dma_semaphore, #tpu.memory_space<semaphore_mem>>) src(%dma_wait3A_35 : memref<1000000x32xf32, #tpu.memory_space<hbm>>) dst(%arg20 : memref<512x32xf32, #tpu.memory_space<vmem>>)
    "tpu.region"() ({
      %run_scoped3A = tpu.sem_alloc : memref<!tpu.dma_semaphore, #tpu.memory_space<semaphore_mem>>
      %dma_start3A_60 = tpu.memref_slice %arg7[%mul3A_2] : memref<16384xi32, #tpu.memory_space<hbm>> -> memref<512xi32, #tpu.memory_space<hbm>>
      %dma_start3A_61 = tpu.memref_slice %arg7[%mul3A_2] : memref<16384xi32, #tpu.memory_space<hbm>> -> memref<512xi32, #tpu.memory_space<hbm>>
      tpu.enqueue_dma source(%dma_start3A_61 : memref<512xi32, #tpu.memory_space<hbm>>) target(%arg18 : memref<512xi32, #tpu.memory_space<vmem>>) target_semaphore(%run_scoped3A : memref<!tpu.dma_semaphore, #tpu.memory_space<semaphore_mem>>)
      %dma_wait3A_62 = tpu.memref_slice %arg7[%mul3A_2] : memref<16384xi32, #tpu.memory_space<hbm>> -> memref<512xi32, #tpu.memory_space<hbm>>
      %dma_wait3A_63 = tpu.memref_slice %arg7[%mul3A_2] : memref<16384xi32, #tpu.memory_space<hbm>> -> memref<512xi32, #tpu.memory_space<hbm>>
      tpu.wait_dma2 semaphore(%run_scoped3A : memref<!tpu.dma_semaphore, #tpu.memory_space<semaphore_mem>>) src(%dma_wait3A_63 : memref<512xi32, #tpu.memory_space<hbm>>) dst(%arg18 : memref<512xi32, #tpu.memory_space<vmem>>)
      tpu.yield
    }) : () -> ()
    %dma_start3A_36 = arith.constant 0 : i32
    %dma_start3A_37 = arith.constant 0 : i32
    %dma_start3A_38 = tpu.memref_slice %arg11[%dma_start3A_36, %dma_start3A_37] : memref<1000000x32xf32, #tpu.memory_space<hbm>> -> memref<1000000x32xf32, #tpu.memory_space<hbm>>
    tpu.enqueue_indirect_dma source(%dma_start3A_38 : memref<1000000x32xf32, #tpu.memory_space<hbm>>) target(%arg21 : memref<512x32xf32, #tpu.memory_space<vmem>>) offsets(%arg18 : memref<512xi32, #tpu.memory_space<vmem>>) semaphore(%arg24 : memref<!tpu.dma_semaphore, #tpu.memory_space<semaphore_mem>>)
    %dma_wait3A_39 = arith.constant 0 : i32
    %dma_wait3A_40 = arith.constant 0 : i32
    %dma_wait3A_41 = tpu.memref_slice %arg11[%dma_wait3A_39, %dma_wait3A_40] : memref<1000000x32xf32, #tpu.memory_space<hbm>> -> memref<1000000x32xf32, #tpu.memory_space<hbm>>
    tpu.wait_indirect_dma semaphore(%arg24 : memref<!tpu.dma_semaphore, #tpu.memory_space<semaphore_mem>>) src(%dma_wait3A_41 : memref<1000000x32xf32, #tpu.memory_space<hbm>>) dst(%arg21 : memref<512x32xf32, #tpu.memory_space<vmem>>)
    %scan3A_42 = arith.constant 0 : i32
    %scan3A_43 = arith.constant 0 : i32
    %scan3A_44 = arith.constant 32 : i32
    %scan3A_45 = arith.addi %scan3A_43, %scan3A_44 : i32
    %scan3A_46 = arith.constant 1 : i32
    scf.for %scan3A_60 = %scan3A_43 to %scan3A_45 step %scan3A_46  : i32 {
      %mul3A_61 = arith.constant 16 : i32
      %mul3A_62 = arith.muli %scan3A_60, %mul3A_61 : i32
      %multiple_of3A = tpu.assume_multiple %mul3A_62, 16 : i32
      %add3A_63 = arith.constant 0 : i32
      %add3A_64 = arith.addi %multiple_of3A, %add3A_63 : i32
      %get3A = arith.index_cast %add3A_64 : i32 to index
      %get3A_65 = arith.constant 0 : index
      %get3A_66 = tpu.vector_load %arg19[%get3A, %get3A_65] {strides = array<i32>} : memref<512x32xf32, #tpu.memory_space<vmem>>, vector<16xf32>,
      %get3A_67 = arith.index_cast %add3A_64 : i32 to index
      %get3A_68 = arith.constant 0 : index
      %get3A_69 = tpu.vector_load %arg20[%get3A_67, %get3A_68] {strides = array<i32>} : memref<512x32xf32, #tpu.memory_space<vmem>>, vector<16xf32>,
      %mul3A_70 = arith.mulf %get3A_66, %get3A_69 : vector<16xf32>
      %get3A_71 = arith.index_cast %add3A_64 : i32 to index
      %get3A_72 = arith.constant 0 : index
      %get3A_73 = tpu.vector_load %arg21[%get3A_71, %get3A_72] {strides = array<i32>} : memref<512x32xf32, #tpu.memory_space<vmem>>, vector<16xf32>,
      %mul3A_74 = arith.mulf %mul3A_70, %get3A_73 : vector<16xf32>
      %get3A_75 = arith.index_cast %add3A_64 : i32 to index
      %get3A_76 = arith.constant 16 : index
      %get3A_77 = tpu.vector_load %arg19[%get3A_75, %get3A_76] {strides = array<i32>} : memref<512x32xf32, #tpu.memory_space<vmem>>, vector<16xf32>,
      %get3A_78 = arith.index_cast %add3A_64 : i32 to index
      %get3A_79 = arith.constant 16 : index
      %get3A_80 = tpu.vector_load %arg20[%get3A_78, %get3A_79] {strides = array<i32>} : memref<512x32xf32, #tpu.memory_space<vmem>>, vector<16xf32>,
      %mul3A_81 = arith.mulf %get3A_77, %get3A_80 : vector<16xf32>
      %get3A_82 = arith.index_cast %add3A_64 : i32 to index
      %get3A_83 = arith.constant 16 : index
      %get3A_84 = tpu.vector_load %arg21[%get3A_82, %get3A_83] {strides = array<i32>} : memref<512x32xf32, #tpu.memory_space<vmem>>, vector<16xf32>,
      %mul3A_85 = arith.mulf %mul3A_81, %get3A_84 : vector<16xf32>
      %add3A_86 = arith.addf %mul3A_74, %mul3A_85 : vector<16xf32>
      %mul3A_87 = arith.constant 16 : i32
      %mul3A_88 = arith.muli %add3A_64, %mul3A_87 : i32
      %swap3A = arith.index_cast %mul3A_88 : i32 to index
      %swap3A_89 = tpu.vector_load %arg22[%swap3A] {strides = array<i32>} : memref<8192xf32, #tpu.memory_space<vmem>>, vector<16xf32>,
      tpu.vector_store %arg22[%swap3A], %add3A_86 {strides = array<i32>} : memref<8192xf32, #tpu.memory_space<vmem>>, vector<16xf32>,
      %add3A_90 = arith.constant 1 : i32
      %add3A_91 = arith.addi %multiple_of3A, %add3A_90 : i32
      %get3A_92 = arith.index_cast %add3A_91 : i32 to index
      %get3A_93 = arith.constant 0 : index
      %get3A_94 = tpu.vector_load %arg19[%get3A_92, %get3A_93] {strides = array<i32>} : memref<512x32xf32, #tpu.memory_space<vmem>>, vector<16xf32>,
      %get3A_95 = arith.index_cast %add3A_91 : i32 to index
      %get3A_96 = arith.constant 0 : index
      %get3A_97 = tpu.vector_load %arg20[%get3A_95, %get3A_96] {strides = array<i32>} : memref<512x32xf32, #tpu.memory_space<vmem>>, vector<16xf32>,
      %mul3A_98 = arith.mulf %get3A_94, %get3A_97 : vector<16xf32>
      %get3A_99 = arith.index_cast %add3A_91 : i32 to index
      %get3A_100 = arith.constant 0 : index
      %get3A_101 = tpu.vector_load %arg21[%get3A_99, %get3A_100] {strides = array<i32>} : memref<512x32xf32, #tpu.memory_space<vmem>>, vector<16xf32>,
      %mul3A_102 = arith.mulf %mul3A_98, %get3A_101 : vector<16xf32>
      %get3A_103 = arith.index_cast %add3A_91 : i32 to index
      %get3A_104 = arith.constant 16 : index
      %get3A_105 = tpu.vector_load %arg19[%get3A_103, %get3A_104] {strides = array<i32>} : memref<512x32xf32, #tpu.memory_space<vmem>>, vector<16xf32>,
      %get3A_106 = arith.index_cast %add3A_91 : i32 to index
      %get3A_107 = arith.constant 16 : index
      %get3A_108 = tpu.vector_load %arg20[%get3A_106, %get3A_107] {strides = array<i32>} : memref<512x32xf32, #tpu.memory_space<vmem>>, vector<16xf32>,
      %mul3A_109 = arith.mulf %get3A_105, %get3A_108 : vector<16xf32>
      %get3A_110 = arith.index_cast %add3A_91 : i32 to index
      %get3A_111 = arith.constant 16 : index
      %get3A_112 = tpu.vector_load %arg21[%get3A_110, %get3A_111] {strides = array<i32>} : memref<512x32xf32, #tpu.memory_space<vmem>>, vector<16xf32>,
      %mul3A_113 = arith.mulf %mul3A_109, %get3A_112 : vector<16xf32>
      %add3A_114 = arith.addf %mul3A_102, %mul3A_113 : vector<16xf32>
      %mul3A_115 = arith.constant 16 : i32
      %mul3A_116 = arith.muli %add3A_91, %mul3A_115 : i32
      %swap3A_117 = arith.index_cast %mul3A_116 : i32 to index
      %swap3A_118 = tpu.vector_load %arg22[%swap3A_117] {strides = array<i32>} : memref<8192xf32, #tpu.memory_space<vmem>>, vector<16xf32>,
      tpu.vector_store %arg22[%swap3A_117], %add3A_114 {strides = array<i32>} : memref<8192xf32, #tpu.memory_space<vmem>>, vector<16xf32>,
      %add3A_119 = arith.constant 2 : i32
      %add3A_120 = arith.addi %multiple_of3A, %add3A_119 : i32
      %get3A_121 = arith.index_cast %add3A_120 : i32 to index
      %get3A_122 = arith.constant 0 : index
      %get3A_123 = tpu.vector_load %arg19[%get3A_121, %get3A_122] {strides = array<i32>} : memref<512x32xf32, #tpu.memory_space<vmem>>, vector<16xf32>,
      %get3A_124 = arith.index_cast %add3A_120 : i32 to index
      %get3A_125 = arith.constant 0 : index
      %get3A_126 = tpu.vector_load %arg20[%get3A_124, %get3A_125] {strides = array<i32>} : memref<512x32xf32, #tpu.memory_space<vmem>>, vector<16xf32>,
      %mul3A_127 = arith.mulf %get3A_123, %get3A_126 : vector<16xf32>
      %get3A_128 = arith.index_cast %add3A_120 : i32 to index
      %get3A_129 = arith.constant 0 : index
      %get3A_130 = tpu.vector_load %arg21[%get3A_128, %get3A_129] {strides = array<i32>} : memref<512x32xf32, #tpu.memory_space<vmem>>, vector<16xf32>,
      %mul3A_131 = arith.mulf %mul3A_127, %get3A_130 : vector<16xf32>
      %get3A_132 = arith.index_cast %add3A_120 : i32 to index
      %get3A_133 = arith.constant 16 : index
      %get3A_134 = tpu.vector_load %arg19[%get3A_132, %get3A_133] {strides = array<i32>} : memref<512x32xf32, #tpu.memory_space<vmem>>, vector<16xf32>,
      %get3A_135 = arith.index_cast %add3A_120 : i32 to index
      %get3A_136 = arith.constant 16 : index
      %get3A_137 = tpu.vector_load %arg20[%get3A_135, %get3A_136] {strides = array<i32>} : memref<512x32xf32, #tpu.memory_space<vmem>>, vector<16xf32>,
      %mul3A_138 = arith.mulf %get3A_134, %get3A_137 : vector<16xf32>
      %get3A_139 = arith.index_cast %add3A_120 : i32 to index
      %get3A_140 = arith.constant 16 : index
      %get3A_141 = tpu.vector_load %arg21[%get3A_139, %get3A_140] {strides = array<i32>} : memref<512x32xf32, #tpu.memory_space<vmem>>, vector<16xf32>,
      %mul3A_142 = arith.mulf %mul3A_138, %get3A_141 : vector<16xf32>
      %add3A_143 = arith.addf %mul3A_131, %mul3A_142 : vector<16xf32>
      %mul3A_144 = arith.constant 16 : i32
      %mul3A_145 = arith.muli %add3A_120, %mul3A_144 : i32
      %swap3A_146 = arith.index_cast %mul3A_145 : i32 to index
      %swap3A_147 = tpu.vector_load %arg22[%swap3A_146] {strides = array<i32>} : memref<8192xf32, #tpu.memory_space<vmem>>, vector<16xf32>,
      tpu.vector_store %arg22[%swap3A_146], %add3A_143 {strides = array<i32>} : memref<8192xf32, #tpu.memory_space<vmem>>, vector<16xf32>,
      %add3A_148 = arith.constant 3 : i32
      %add3A_149 = arith.addi %multiple_of3A, %add3A_148 : i32
      %get3A_150 = arith.index_cast %add3A_149 : i32 to index
      %get3A_151 = arith.constant 0 : index
      %get3A_152 = tpu.vector_load %arg19[%get3A_150, %get3A_151] {strides = array<i32>} : memref<512x32xf32, #tpu.memory_space<vmem>>, vector<16xf32>,
      %get3A_153 = arith.index_cast %add3A_149 : i32 to index
      %get3A_154 = arith.constant 0 : index
      %get3A_155 = tpu.vector_load %arg20[%get3A_153, %get3A_154] {strides = array<i32>} : memref<512x32xf32, #tpu.memory_space<vmem>>, vector<16xf32>,
      %mul3A_156 = arith.mulf %get3A_152, %get3A_155 : vector<16xf32>
      %get3A_157 = arith.index_cast %add3A_149 : i32 to index
      %get3A_158 = arith.constant 0 : index
      %get3A_159 = tpu.vector_load %arg21[%get3A_157, %get3A_158] {strides = array<i32>} : memref<512x32xf32, #tpu.memory_space<vmem>>, vector<16xf32>,
      %mul3A_160 = arith.mulf %mul3A_156, %get3A_159 : vector<16xf32>
      %get3A_161 = arith.index_cast %add3A_149 : i32 to index
      %get3A_162 = arith.constant 16 : index
      %get3A_163 = tpu.vector_load %arg19[%get3A_161, %get3A_162] {strides = array<i32>} : memref<512x32xf32, #tpu.memory_space<vmem>>, vector<16xf32>,
      %get3A_164 = arith.index_cast %add3A_149 : i32 to index
      %get3A_165 = arith.constant 16 : index
      %get3A_166 = tpu.vector_load %arg20[%get3A_164, %get3A_165] {strides = array<i32>} : memref<512x32xf32, #tpu.memory_space<vmem>>, vector<16xf32>,
      %mul3A_167 = arith.mulf %get3A_163, %get3A_166 : vector<16xf32>
      %get3A_168 = arith.index_cast %add3A_149 : i32 to index
      %get3A_169 = arith.constant 16 : index
      %get3A_170 = tpu.vector_load %arg21[%get3A_168, %get3A_169] {strides = array<i32>} : memref<512x32xf32, #tpu.memory_space<vmem>>, vector<16xf32>,
      %mul3A_171 = arith.mulf %mul3A_167, %get3A_170 : vector<16xf32>
      %add3A_172 = arith.addf %mul3A_160, %mul3A_171 : vector<16xf32>
      %mul3A_173 = arith.constant 16 : i32
      %mul3A_174 = arith.muli %add3A_149, %mul3A_173 : i32
      %swap3A_175 = arith.index_cast %mul3A_174 : i32 to index
      %swap3A_176 = tpu.vector_load %arg22[%swap3A_175] {strides = array<i32>} : memref<8192xf32, #tpu.memory_space<vmem>>, vector<16xf32>,
      tpu.vector_store %arg22[%swap3A_175], %add3A_172 {strides = array<i32>} : memref<8192xf32, #tpu.memory_space<vmem>>, vector<16xf32>,
      %add3A_177 = arith.constant 4 : i32
      %add3A_178 = arith.addi %multiple_of3A, %add3A_177 : i32
      %get3A_179 = arith.index_cast %add3A_178 : i32 to index
      %get3A_180 = arith.constant 0 : index
      %get3A_181 = tpu.vector_load %arg19[%get3A_179, %get3A_180] {strides = array<i32>} : memref<512x32xf32, #tpu.memory_space<vmem>>, vector<16xf32>,
      %get3A_182 = arith.index_cast %add3A_178 : i32 to index
      %get3A_183 = arith.constant 0 : index
      %get3A_184 = tpu.vector_load %arg20[%get3A_182, %get3A_183] {strides = array<i32>} : memref<512x32xf32, #tpu.memory_space<vmem>>, vector<16xf32>,
      %mul3A_185 = arith.mulf %get3A_181, %get3A_184 : vector<16xf32>
      %get3A_186 = arith.index_cast %add3A_178 : i32 to index
      %get3A_187 = arith.constant 0 : index
      %get3A_188 = tpu.vector_load %arg21[%get3A_186, %get3A_187] {strides = array<i32>} : memref<512x32xf32, #tpu.memory_space<vmem>>, vector<16xf32>,
      %mul3A_189 = arith.mulf %mul3A_185, %get3A_188 : vector<16xf32>
      %get3A_190 = arith.index_cast %add3A_178 : i32 to index
      %get3A_191 = arith.constant 16 : index
      %get3A_192 = tpu.vector_load %arg19[%get3A_190, %get3A_191] {strides = array<i32>} : memref<512x32xf32, #tpu.memory_space<vmem>>, vector<16xf32>,
      %get3A_193 = arith.index_cast %add3A_178 : i32 to index
      %get3A_194 = arith.constant 16 : index
      %get3A_195 = tpu.vector_load %arg20[%get3A_193, %get3A_194] {strides = array<i32>} : memref<512x32xf32, #tpu.memory_space<vmem>>, vector<16xf32>,
      %mul3A_196 = arith.mulf %get3A_192, %get3A_195 : vector<16xf32>
      %get3A_197 = arith.index_cast %add3A_178 : i32 to index
      %get3A_198 = arith.constant 16 : index
      %get3A_199 = tpu.vector_load %arg21[%get3A_197, %get3A_198] {strides = array<i32>} : memref<512x32xf32, #tpu.memory_space<vmem>>, vector<16xf32>,
      %mul3A_200 = arith.mulf %mul3A_196, %get3A_199 : vector<16xf32>
      %add3A_201 = arith.addf %mul3A_189, %mul3A_200 : vector<16xf32>
      %mul3A_202 = arith.constant 16 : i32
      %mul3A_203 = arith.muli %add3A_178, %mul3A_202 : i32
      %swap3A_204 = arith.index_cast %mul3A_203 : i32 to index
      %swap3A_205 = tpu.vector_load %arg22[%swap3A_204] {strides = array<i32>} : memref<8192xf32, #tpu.memory_space<vmem>>, vector<16xf32>,
      tpu.vector_store %arg22[%swap3A_204], %add3A_201 {strides = array<i32>} : memref<8192xf32, #tpu.memory_space<vmem>>, vector<16xf32>,
      %add3A_206 = arith.constant 5 : i32
      %add3A_207 = arith.addi %multiple_of3A, %add3A_206 : i32
      %get3A_208 = arith.index_cast %add3A_207 : i32 to index
      %get3A_209 = arith.constant 0 : index
      %get3A_210 = tpu.vector_load %arg19[%get3A_208, %get3A_209] {strides = array<i32>} : memref<512x32xf32, #tpu.memory_space<vmem>>, vector<16xf32>,
      %get3A_211 = arith.index_cast %add3A_207 : i32 to index
      %get3A_212 = arith.constant 0 : index
      %get3A_213 = tpu.vector_load %arg20[%get3A_211, %get3A_212] {strides = array<i32>} : memref<512x32xf32, #tpu.memory_space<vmem>>, vector<16xf32>,
      %mul3A_214 = arith.mulf %get3A_210, %get3A_213 : vector<16xf32>
      %get3A_215 = arith.index_cast %add3A_207 : i32 to index
      %get3A_216 = arith.constant 0 : index
      %get3A_217 = tpu.vector_load %arg21[%get3A_215, %get3A_216] {strides = array<i32>} : memref<512x32xf32, #tpu.memory_space<vmem>>, vector<16xf32>,
      %mul3A_218 = arith.mulf %mul3A_214, %get3A_217 : vector<16xf32>
      %get3A_219 = arith.index_cast %add3A_207 : i32 to index
      %get3A_220 = arith.constant 16 : index
      %get3A_221 = tpu.vector_load %arg19[%get3A_219, %get3A_220] {strides = array<i32>} : memref<512x32xf32, #tpu.memory_space<vmem>>, vector<16xf32>,
      %get3A_222 = arith.index_cast %add3A_207 : i32 to index
      %get3A_223 = arith.constant 16 : index
      %get3A_224 = tpu.vector_load %arg20[%get3A_222, %get3A_223] {strides = array<i32>} : memref<512x32xf32, #tpu.memory_space<vmem>>, vector<16xf32>,
      %mul3A_225 = arith.mulf %get3A_221, %get3A_224 : vector<16xf32>
      %get3A_226 = arith.index_cast %add3A_207 : i32 to index
      %get3A_227 = arith.constant 16 : index
      %get3A_228 = tpu.vector_load %arg21[%get3A_226, %get3A_227] {strides = array<i32>} : memref<512x32xf32, #tpu.memory_space<vmem>>, vector<16xf32>,
      %mul3A_229 = arith.mulf %mul3A_225, %get3A_228 : vector<16xf32>
      %add3A_230 = arith.addf %mul3A_218, %mul3A_229 : vector<16xf32>
      %mul3A_231 = arith.constant 16 : i32
      %mul3A_232 = arith.muli %add3A_207, %mul3A_231 : i32
      %swap3A_233 = arith.index_cast %mul3A_232 : i32 to index
      %swap3A_234 = tpu.vector_load %arg22[%swap3A_233] {strides = array<i32>} : memref<8192xf32, #tpu.memory_space<vmem>>, vector<16xf32>,
      tpu.vector_store %arg22[%swap3A_233], %add3A_230 {strides = array<i32>} : memref<8192xf32, #tpu.memory_space<vmem>>, vector<16xf32>,
      %add3A_235 = arith.constant 6 : i32
      %add3A_236 = arith.addi %multiple_of3A, %add3A_235 : i32
      %get3A_237 = arith.index_cast %add3A_236 : i32 to index
      %get3A_238 = arith.constant 0 : index
      %get3A_239 = tpu.vector_load %arg19[%get3A_237, %get3A_238] {strides = array<i32>} : memref<512x32xf32, #tpu.memory_space<vmem>>, vector<16xf32>,
      %get3A_240 = arith.index_cast %add3A_236 : i32 to index
      %get3A_241 = arith.constant 0 : index
      %get3A_242 = tpu.vector_load %arg20[%get3A_240, %get3A_241] {strides = array<i32>} : memref<512x32xf32, #tpu.memory_space<vmem>>, vector<16xf32>,
      %mul3A_243 = arith.mulf %get3A_239, %get3A_242 : vector<16xf32>
      %get3A_244 = arith.index_cast %add3A_236 : i32 to index
      %get3A_245 = arith.constant 0 : index
      %get3A_246 = tpu.vector_load %arg21[%get3A_244, %get3A_245] {strides = array<i32>} : memref<512x32xf32, #tpu.memory_space<vmem>>, vector<16xf32>,
      %mul3A_247 = arith.mulf %mul3A_243, %get3A_246 : vector<16xf32>
      %get3A_248 = arith.index_cast %add3A_236 : i32 to index
      %get3A_249 = arith.constant 16 : index
      %get3A_250 = tpu.vector_load %arg19[%get3A_248, %get3A_249] {strides = array<i32>} : memref<512x32xf32, #tpu.memory_space<vmem>>, vector<16xf32>,
      %get3A_251 = arith.index_cast %add3A_236 : i32 to index
      %get3A_252 = arith.constant 16 : index
      %get3A_253 = tpu.vector_load %arg20[%get3A_251, %get3A_252] {strides = array<i32>} : memref<512x32xf32, #tpu.memory_space<vmem>>, vector<16xf32>,
      %mul3A_254 = arith.mulf %get3A_250, %get3A_253 : vector<16xf32>
      %get3A_255 = arith.index_cast %add3A_236 : i32 to index
      %get3A_256 = arith.constant 16 : index
      %get3A_257 = tpu.vector_load %arg21[%get3A_255, %get3A_256] {strides = array<i32>} : memref<512x32xf32, #tpu.memory_space<vmem>>, vector<16xf32>,
      %mul3A_258 = arith.mulf %mul3A_254, %get3A_257 : vector<16xf32>
      %add3A_259 = arith.addf %mul3A_247, %mul3A_258 : vector<16xf32>
      %mul3A_260 = arith.constant 16 : i32
      %mul3A_261 = arith.muli %add3A_236, %mul3A_260 : i32
      %swap3A_262 = arith.index_cast %mul3A_261 : i32 to index
      %swap3A_263 = tpu.vector_load %arg22[%swap3A_262] {strides = array<i32>} : memref<8192xf32, #tpu.memory_space<vmem>>, vector<16xf32>,
      tpu.vector_store %arg22[%swap3A_262], %add3A_259 {strides = array<i32>} : memref<8192xf32, #tpu.memory_space<vmem>>, vector<16xf32>,
      %add3A_264 = arith.constant 7 : i32
      %add3A_265 = arith.addi %multiple_of3A, %add3A_264 : i32
      %get3A_266 = arith.index_cast %add3A_265 : i32 to index
      %get3A_267 = arith.constant 0 : index
      %get3A_268 = tpu.vector_load %arg19[%get3A_266, %get3A_267] {strides = array<i32>} : memref<512x32xf32, #tpu.memory_space<vmem>>, vector<16xf32>,
      %get3A_269 = arith.index_cast %add3A_265 : i32 to index
      %get3A_270 = arith.constant 0 : index
      %get3A_271 = tpu.vector_load %arg20[%get3A_269, %get3A_270] {strides = array<i32>} : memref<512x32xf32, #tpu.memory_space<vmem>>, vector<16xf32>,
      %mul3A_272 = arith.mulf %get3A_268, %get3A_271 : vector<16xf32>
      %get3A_273 = arith.index_cast %add3A_265 : i32 to index
      %get3A_274 = arith.constant 0 : index
      %get3A_275 = tpu.vector_load %arg21[%get3A_273, %get3A_274] {strides = array<i32>} : memref<512x32xf32, #tpu.memory_space<vmem>>, vector<16xf32>,
      %mul3A_276 = arith.mulf %mul3A_272, %get3A_275 : vector<16xf32>
      %get3A_277 = arith.index_cast %add3A_265 : i32 to index
      %get3A_278 = arith.constant 16 : index
      %get3A_279 = tpu.vector_load %arg19[%get3A_277, %get3A_278] {strides = array<i32>} : memref<512x32xf32, #tpu.memory_space<vmem>>, vector<16xf32>,
      %get3A_280 = arith.index_cast %add3A_265 : i32 to index
      %get3A_281 = arith.constant 16 : index
      %get3A_282 = tpu.vector_load %arg20[%get3A_280, %get3A_281] {strides = array<i32>} : memref<512x32xf32, #tpu.memory_space<vmem>>, vector<16xf32>,
      %mul3A_283 = arith.mulf %get3A_279, %get3A_282 : vector<16xf32>
      %get3A_284 = arith.index_cast %add3A_265 : i32 to index
      %get3A_285 = arith.constant 16 : index
      %get3A_286 = tpu.vector_load %arg21[%get3A_284, %get3A_285] {strides = array<i32>} : memref<512x32xf32, #tpu.memory_space<vmem>>, vector<16xf32>,
      %mul3A_287 = arith.mulf %mul3A_283, %get3A_286 : vector<16xf32>
      %add3A_288 = arith.addf %mul3A_276, %mul3A_287 : vector<16xf32>
      %mul3A_289 = arith.constant 16 : i32
      %mul3A_290 = arith.muli %add3A_265, %mul3A_289 : i32
      %swap3A_291 = arith.index_cast %mul3A_290 : i32 to index
      %swap3A_292 = tpu.vector_load %arg22[%swap3A_291] {strides = array<i32>} : memref<8192xf32, #tpu.memory_space<vmem>>, vector<16xf32>,
      tpu.vector_store %arg22[%swap3A_291], %add3A_288 {strides = array<i32>} : memref<8192xf32, #tpu.memory_space<vmem>>, vector<16xf32>,
      %add3A_293 = arith.constant 8 : i32
      %add3A_294 = arith.addi %multiple_of3A, %add3A_293 : i32
      %get3A_295 = arith.index_cast %add3A_294 : i32 to index
      %get3A_296 = arith.constant 0 : index
      %get3A_297 = tpu.vector_load %arg19[%get3A_295, %get3A_296] {strides = array<i32>} : memref<512x32xf32, #tpu.memory_space<vmem>>, vector<16xf32>,
      %get3A_298 = arith.index_cast %add3A_294 : i32 to index
      %get3A_299 = arith.constant 0 : index
      %get3A_300 = tpu.vector_load %arg20[%get3A_298, %get3A_299] {strides = array<i32>} : memref<512x32xf32, #tpu.memory_space<vmem>>, vector<16xf32>,
      %mul3A_301 = arith.mulf %get3A_297, %get3A_300 : vector<16xf32>
      %get3A_302 = arith.index_cast %add3A_294 : i32 to index
      %get3A_303 = arith.constant 0 : index
      %get3A_304 = tpu.vector_load %arg21[%get3A_302, %get3A_303] {strides = array<i32>} : memref<512x32xf32, #tpu.memory_space<vmem>>, vector<16xf32>,
      %mul3A_305 = arith.mulf %mul3A_301, %get3A_304 : vector<16xf32>
      %get3A_306 = arith.index_cast %add3A_294 : i32 to index
      %get3A_307 = arith.constant 16 : index
      %get3A_308 = tpu.vector_load %arg19[%get3A_306, %get3A_307] {strides = array<i32>} : memref<512x32xf32, #tpu.memory_space<vmem>>, vector<16xf32>,
      %get3A_309 = arith.index_cast %add3A_294 : i32 to index
      %get3A_310 = arith.constant 16 : index
      %get3A_311 = tpu.vector_load %arg20[%get3A_309, %get3A_310] {strides = array<i32>} : memref<512x32xf32, #tpu.memory_space<vmem>>, vector<16xf32>,
      %mul3A_312 = arith.mulf %get3A_308, %get3A_311 : vector<16xf32>
      %get3A_313 = arith.index_cast %add3A_294 : i32 to index
      %get3A_314 = arith.constant 16 : index
      %get3A_315 = tpu.vector_load %arg21[%get3A_313, %get3A_314] {strides = array<i32>} : memref<512x32xf32, #tpu.memory_space<vmem>>, vector<16xf32>,
      %mul3A_316 = arith.mulf %mul3A_312, %get3A_315 : vector<16xf32>
      %add3A_317 = arith.addf %mul3A_305, %mul3A_316 : vector<16xf32>
      %mul3A_318 = arith.constant 16 : i32
      %mul3A_319 = arith.muli %add3A_294, %mul3A_318 : i32
      %swap3A_320 = arith.index_cast %mul3A_319 : i32 to index
      %swap3A_321 = tpu.vector_load %arg22[%swap3A_320] {strides = array<i32>} : memref<8192xf32, #tpu.memory_space<vmem>>, vector<16xf32>,
      tpu.vector_store %arg22[%swap3A_320], %add3A_317 {strides = array<i32>} : memref<8192xf32, #tpu.memory_space<vmem>>, vector<16xf32>,
      %add3A_322 = arith.constant 9 : i32
      %add3A_323 = arith.addi %multiple_of3A, %add3A_322 : i32
      %get3A_324 = arith.index_cast %add3A_323 : i32 to index
      %get3A_325 = arith.constant 0 : index
      %get3A_326 = tpu.vector_load %arg19[%get3A_324, %get3A_325] {strides = array<i32>} : memref<512x32xf32, #tpu.memory_space<vmem>>, vector<16xf32>,
      %get3A_327 = arith.index_cast %add3A_323 : i32 to index
      %get3A_328 = arith.constant 0 : index
      %get3A_329 = tpu.vector_load %arg20[%get3A_327, %get3A_328] {strides = array<i32>} : memref<512x32xf32, #tpu.memory_space<vmem>>, vector<16xf32>,
      %mul3A_330 = arith.mulf %get3A_326, %get3A_329 : vector<16xf32>
      %get3A_331 = arith.index_cast %add3A_323 : i32 to index
      %get3A_332 = arith.constant 0 : index
      %get3A_333 = tpu.vector_load %arg21[%get3A_331, %get3A_332] {strides = array<i32>} : memref<512x32xf32, #tpu.memory_space<vmem>>, vector<16xf32>,
      %mul3A_334 = arith.mulf %mul3A_330, %get3A_333 : vector<16xf32>
      %get3A_335 = arith.index_cast %add3A_323 : i32 to index
      %get3A_336 = arith.constant 16 : index
      %get3A_337 = tpu.vector_load %arg19[%get3A_335, %get3A_336] {strides = array<i32>} : memref<512x32xf32, #tpu.memory_space<vmem>>, vector<16xf32>,
      %get3A_338 = arith.index_cast %add3A_323 : i32 to index
      %get3A_339 = arith.constant 16 : index
      %get3A_340 = tpu.vector_load %arg20[%get3A_338, %get3A_339] {strides = array<i32>} : memref<512x32xf32, #tpu.memory_space<vmem>>, vector<16xf32>,
      %mul3A_341 = arith.mulf %get3A_337, %get3A_340 : vector<16xf32>
      %get3A_342 = arith.index_cast %add3A_323 : i32 to index
      %get3A_343 = arith.constant 16 : index
      %get3A_344 = tpu.vector_load %arg21[%get3A_342, %get3A_343] {strides = array<i32>} : memref<512x32xf32, #tpu.memory_space<vmem>>, vector<16xf32>,
      %mul3A_345 = arith.mulf %mul3A_341, %get3A_344 : vector<16xf32>
      %add3A_346 = arith.addf %mul3A_334, %mul3A_345 : vector<16xf32>
      %mul3A_347 = arith.constant 16 : i32
      %mul3A_348 = arith.muli %add3A_323, %mul3A_347 : i32
      %swap3A_349 = arith.index_cast %mul3A_348 : i32 to index
      %swap3A_350 = tpu.vector_load %arg22[%swap3A_349] {strides = array<i32>} : memref<8192xf32, #tpu.memory_space<vmem>>, vector<16xf32>,
      tpu.vector_store %arg22[%swap3A_349], %add3A_346 {strides = array<i32>} : memref<8192xf32, #tpu.memory_space<vmem>>, vector<16xf32>,
      %add3A_351 = arith.constant 10 : i32
      %add3A_352 = arith.addi %multiple_of3A, %add3A_351 : i32
      %get3A_353 = arith.index_cast %add3A_352 : i32 to index
      %get3A_354 = arith.constant 0 : index
      %get3A_355 = tpu.vector_load %arg19[%get3A_353, %get3A_354] {strides = array<i32>} : memref<512x32xf32, #tpu.memory_space<vmem>>, vector<16xf32>,
      %get3A_356 = arith.index_cast %add3A_352 : i32 to index
      %get3A_357 = arith.constant 0 : index
      %get3A_358 = tpu.vector_load %arg20[%get3A_356, %get3A_357] {strides = array<i32>} : memref<512x32xf32, #tpu.memory_space<vmem>>, vector<16xf32>,
      %mul3A_359 = arith.mulf %get3A_355, %get3A_358 : vector<16xf32>
      %get3A_360 = arith.index_cast %add3A_352 : i32 to index
      %get3A_361 = arith.constant 0 : index
      %get3A_362 = tpu.vector_load %arg21[%get3A_360, %get3A_361] {strides = array<i32>} : memref<512x32xf32, #tpu.memory_space<vmem>>, vector<16xf32>,
      %mul3A_363 = arith.mulf %mul3A_359, %get3A_362 : vector<16xf32>
      %get3A_364 = arith.index_cast %add3A_352 : i32 to index
      %get3A_365 = arith.constant 16 : index
      %get3A_366 = tpu.vector_load %arg19[%get3A_364, %get3A_365] {strides = array<i32>} : memref<512x32xf32, #tpu.memory_space<vmem>>, vector<16xf32>,
      %get3A_367 = arith.index_cast %add3A_352 : i32 to index
      %get3A_368 = arith.constant 16 : index
      %get3A_369 = tpu.vector_load %arg20[%get3A_367, %get3A_368] {strides = array<i32>} : memref<512x32xf32, #tpu.memory_space<vmem>>, vector<16xf32>,
      %mul3A_370 = arith.mulf %get3A_366, %get3A_369 : vector<16xf32>
      %get3A_371 = arith.index_cast %add3A_352 : i32 to index
      %get3A_372 = arith.constant 16 : index
      %get3A_373 = tpu.vector_load %arg21[%get3A_371, %get3A_372] {strides = array<i32>} : memref<512x32xf32, #tpu.memory_space<vmem>>, vector<16xf32>,
      %mul3A_374 = arith.mulf %mul3A_370, %get3A_373 : vector<16xf32>
      %add3A_375 = arith.addf %mul3A_363, %mul3A_374 : vector<16xf32>
      %mul3A_376 = arith.constant 16 : i32
      %mul3A_377 = arith.muli %add3A_352, %mul3A_376 : i32
      %swap3A_378 = arith.index_cast %mul3A_377 : i32 to index
      %swap3A_379 = tpu.vector_load %arg22[%swap3A_378] {strides = array<i32>} : memref<8192xf32, #tpu.memory_space<vmem>>, vector<16xf32>,
      tpu.vector_store %arg22[%swap3A_378], %add3A_375 {strides = array<i32>} : memref<8192xf32, #tpu.memory_space<vmem>>, vector<16xf32>,
      %add3A_380 = arith.constant 11 : i32
      %add3A_381 = arith.addi %multiple_of3A, %add3A_380 : i32
      %get3A_382 = arith.index_cast %add3A_381 : i32 to index
      %get3A_383 = arith.constant 0 : index
      %get3A_384 = tpu.vector_load %arg19[%get3A_382, %get3A_383] {strides = array<i32>} : memref<512x32xf32, #tpu.memory_space<vmem>>, vector<16xf32>,
      %get3A_385 = arith.index_cast %add3A_381 : i32 to index
      %get3A_386 = arith.constant 0 : index
      %get3A_387 = tpu.vector_load %arg20[%get3A_385, %get3A_386] {strides = array<i32>} : memref<512x32xf32, #tpu.memory_space<vmem>>, vector<16xf32>,
      %mul3A_388 = arith.mulf %get3A_384, %get3A_387 : vector<16xf32>
      %get3A_389 = arith.index_cast %add3A_381 : i32 to index
      %get3A_390 = arith.constant 0 : index
      %get3A_391 = tpu.vector_load %arg21[%get3A_389, %get3A_390] {strides = array<i32>} : memref<512x32xf32, #tpu.memory_space<vmem>>, vector<16xf32>,
      %mul3A_392 = arith.mulf %mul3A_388, %get3A_391 : vector<16xf32>
      %get3A_393 = arith.index_cast %add3A_381 : i32 to index
      %get3A_394 = arith.constant 16 : index
      %get3A_395 = tpu.vector_load %arg19[%get3A_393, %get3A_394] {strides = array<i32>} : memref<512x32xf32, #tpu.memory_space<vmem>>, vector<16xf32>,
      %get3A_396 = arith.index_cast %add3A_381 : i32 to index
      %get3A_397 = arith.constant 16 : index
      %get3A_398 = tpu.vector_load %arg20[%get3A_396, %get3A_397] {strides = array<i32>} : memref<512x32xf32, #tpu.memory_space<vmem>>, vector<16xf32>,
      %mul3A_399 = arith.mulf %get3A_395, %get3A_398 : vector<16xf32>
      %get3A_400 = arith.index_cast %add3A_381 : i32 to index
      %get3A_401 = arith.constant 16 : index
      %get3A_402 = tpu.vector_load %arg21[%get3A_400, %get3A_401] {strides = array<i32>} : memref<512x32xf32, #tpu.memory_space<vmem>>, vector<16xf32>,
      %mul3A_403 = arith.mulf %mul3A_399, %get3A_402 : vector<16xf32>
      %add3A_404 = arith.addf %mul3A_392, %mul3A_403 : vector<16xf32>
      %mul3A_405 = arith.constant 16 : i32
      %mul3A_406 = arith.muli %add3A_381, %mul3A_405 : i32
      %swap3A_407 = arith.index_cast %mul3A_406 : i32 to index
      %swap3A_408 = tpu.vector_load %arg22[%swap3A_407] {strides = array<i32>} : memref<8192xf32, #tpu.memory_space<vmem>>, vector<16xf32>,
      tpu.vector_store %arg22[%swap3A_407], %add3A_404 {strides = array<i32>} : memref<8192xf32, #tpu.memory_space<vmem>>, vector<16xf32>,
      %add3A_409 = arith.constant 12 : i32
      %add3A_410 = arith.addi %multiple_of3A, %add3A_409 : i32
      %get3A_411 = arith.index_cast %add3A_410 : i32 to index
      %get3A_412 = arith.constant 0 : index
      %get3A_413 = tpu.vector_load %arg19[%get3A_411, %get3A_412] {strides = array<i32>} : memref<512x32xf32, #tpu.memory_space<vmem>>, vector<16xf32>,
      %get3A_414 = arith.index_cast %add3A_410 : i32 to index
      %get3A_415 = arith.constant 0 : index
      %get3A_416 = tpu.vector_load %arg20[%get3A_414, %get3A_415] {strides = array<i32>} : memref<512x32xf32, #tpu.memory_space<vmem>>, vector<16xf32>,
      %mul3A_417 = arith.mulf %get3A_413, %get3A_416 : vector<16xf32>
      %get3A_418 = arith.index_cast %add3A_410 : i32 to index
      %get3A_419 = arith.constant 0 : index
      %get3A_420 = tpu.vector_load %arg21[%get3A_418, %get3A_419] {strides = array<i32>} : memref<512x32xf32, #tpu.memory_space<vmem>>, vector<16xf32>,
      %mul3A_421 = arith.mulf %mul3A_417, %get3A_420 : vector<16xf32>
      %get3A_422 = arith.index_cast %add3A_410 : i32 to index
      %get3A_423 = arith.constant 16 : index
      %get3A_424 = tpu.vector_load %arg19[%get3A_422, %get3A_423] {strides = array<i32>} : memref<512x32xf32, #tpu.memory_space<vmem>>, vector<16xf32>,
      %get3A_425 = arith.index_cast %add3A_410 : i32 to index
      %get3A_426 = arith.constant 16 : index
      %get3A_427 = tpu.vector_load %arg20[%get3A_425, %get3A_426] {strides = array<i32>} : memref<512x32xf32, #tpu.memory_space<vmem>>, vector<16xf32>,
      %mul3A_428 = arith.mulf %get3A_424, %get3A_427 : vector<16xf32>
      %get3A_429 = arith.index_cast %add3A_410 : i32 to index
      %get3A_430 = arith.constant 16 : index
      %get3A_431 = tpu.vector_load %arg21[%get3A_429, %get3A_430] {strides = array<i32>} : memref<512x32xf32, #tpu.memory_space<vmem>>, vector<16xf32>,
      %mul3A_432 = arith.mulf %mul3A_428, %get3A_431 : vector<16xf32>
      %add3A_433 = arith.addf %mul3A_421, %mul3A_432 : vector<16xf32>
      %mul3A_434 = arith.constant 16 : i32
      %mul3A_435 = arith.muli %add3A_410, %mul3A_434 : i32
      %swap3A_436 = arith.index_cast %mul3A_435 : i32 to index
      %swap3A_437 = tpu.vector_load %arg22[%swap3A_436] {strides = array<i32>} : memref<8192xf32, #tpu.memory_space<vmem>>, vector<16xf32>,
      tpu.vector_store %arg22[%swap3A_436], %add3A_433 {strides = array<i32>} : memref<8192xf32, #tpu.memory_space<vmem>>, vector<16xf32>,
      %add3A_438 = arith.constant 13 : i32
      %add3A_439 = arith.addi %multiple_of3A, %add3A_438 : i32
      %get3A_440 = arith.index_cast %add3A_439 : i32 to index
      %get3A_441 = arith.constant 0 : index
      %get3A_442 = tpu.vector_load %arg19[%get3A_440, %get3A_441] {strides = array<i32>} : memref<512x32xf32, #tpu.memory_space<vmem>>, vector<16xf32>,
      %get3A_443 = arith.index_cast %add3A_439 : i32 to index
      %get3A_444 = arith.constant 0 : index
      %get3A_445 = tpu.vector_load %arg20[%get3A_443, %get3A_444] {strides = array<i32>} : memref<512x32xf32, #tpu.memory_space<vmem>>, vector<16xf32>,
      %mul3A_446 = arith.mulf %get3A_442, %get3A_445 : vector<16xf32>
      %get3A_447 = arith.index_cast %add3A_439 : i32 to index
      %get3A_448 = arith.constant 0 : index
      %get3A_449 = tpu.vector_load %arg21[%get3A_447, %get3A_448] {strides = array<i32>} : memref<512x32xf32, #tpu.memory_space<vmem>>, vector<16xf32>,
      %mul3A_450 = arith.mulf %mul3A_446, %get3A_449 : vector<16xf32>
      %get3A_451 = arith.index_cast %add3A_439 : i32 to index
      %get3A_452 = arith.constant 16 : index
      %get3A_453 = tpu.vector_load %arg19[%get3A_451, %get3A_452] {strides = array<i32>} : memref<512x32xf32, #tpu.memory_space<vmem>>, vector<16xf32>,
      %get3A_454 = arith.index_cast %add3A_439 : i32 to index
      %get3A_455 = arith.constant 16 : index
      %get3A_456 = tpu.vector_load %arg20[%get3A_454, %get3A_455] {strides = array<i32>} : memref<512x32xf32, #tpu.memory_space<vmem>>, vector<16xf32>,
      %mul3A_457 = arith.mulf %get3A_453, %get3A_456 : vector<16xf32>
      %get3A_458 = arith.index_cast %add3A_439 : i32 to index
      %get3A_459 = arith.constant 16 : index
      %get3A_460 = tpu.vector_load %arg21[%get3A_458, %get3A_459] {strides = array<i32>} : memref<512x32xf32, #tpu.memory_space<vmem>>, vector<16xf32>,
      %mul3A_461 = arith.mulf %mul3A_457, %get3A_460 : vector<16xf32>
      %add3A_462 = arith.addf %mul3A_450, %mul3A_461 : vector<16xf32>
      %mul3A_463 = arith.constant 16 : i32
      %mul3A_464 = arith.muli %add3A_439, %mul3A_463 : i32
      %swap3A_465 = arith.index_cast %mul3A_464 : i32 to index
      %swap3A_466 = tpu.vector_load %arg22[%swap3A_465] {strides = array<i32>} : memref<8192xf32, #tpu.memory_space<vmem>>, vector<16xf32>,
      tpu.vector_store %arg22[%swap3A_465], %add3A_462 {strides = array<i32>} : memref<8192xf32, #tpu.memory_space<vmem>>, vector<16xf32>,
      %add3A_467 = arith.constant 14 : i32
      %add3A_468 = arith.addi %multiple_of3A, %add3A_467 : i32
      %get3A_469 = arith.index_cast %add3A_468 : i32 to index
      %get3A_470 = arith.constant 0 : index
      %get3A_471 = tpu.vector_load %arg19[%get3A_469, %get3A_470] {strides = array<i32>} : memref<512x32xf32, #tpu.memory_space<vmem>>, vector<16xf32>,
      %get3A_472 = arith.index_cast %add3A_468 : i32 to index
      %get3A_473 = arith.constant 0 : index
      %get3A_474 = tpu.vector_load %arg20[%get3A_472, %get3A_473] {strides = array<i32>} : memref<512x32xf32, #tpu.memory_space<vmem>>, vector<16xf32>,
      %mul3A_475 = arith.mulf %get3A_471, %get3A_474 : vector<16xf32>
      %get3A_476 = arith.index_cast %add3A_468 : i32 to index
      %get3A_477 = arith.constant 0 : index
      %get3A_478 = tpu.vector_load %arg21[%get3A_476, %get3A_477] {strides = array<i32>} : memref<512x32xf32, #tpu.memory_space<vmem>>, vector<16xf32>,
      %mul3A_479 = arith.mulf %mul3A_475, %get3A_478 : vector<16xf32>
      %get3A_480 = arith.index_cast %add3A_468 : i32 to index
      %get3A_481 = arith.constant 16 : index
      %get3A_482 = tpu.vector_load %arg19[%get3A_480, %get3A_481] {strides = array<i32>} : memref<512x32xf32, #tpu.memory_space<vmem>>, vector<16xf32>,
      %get3A_483 = arith.index_cast %add3A_468 : i32 to index
      %get3A_484 = arith.constant 16 : index
      %get3A_485 = tpu.vector_load %arg20[%get3A_483, %get3A_484] {strides = array<i32>} : memref<512x32xf32, #tpu.memory_space<vmem>>, vector<16xf32>,
      %mul3A_486 = arith.mulf %get3A_482, %get3A_485 : vector<16xf32>
      %get3A_487 = arith.index_cast %add3A_468 : i32 to index
      %get3A_488 = arith.constant 16 : index
      %get3A_489 = tpu.vector_load %arg21[%get3A_487, %get3A_488] {strides = array<i32>} : memref<512x32xf32, #tpu.memory_space<vmem>>, vector<16xf32>,
      %mul3A_490 = arith.mulf %mul3A_486, %get3A_489 : vector<16xf32>
      %add3A_491 = arith.addf %mul3A_479, %mul3A_490 : vector<16xf32>
      %mul3A_492 = arith.constant 16 : i32
      %mul3A_493 = arith.muli %add3A_468, %mul3A_492 : i32
      %swap3A_494 = arith.index_cast %mul3A_493 : i32 to index
      %swap3A_495 = tpu.vector_load %arg22[%swap3A_494] {strides = array<i32>} : memref<8192xf32, #tpu.memory_space<vmem>>, vector<16xf32>,
      tpu.vector_store %arg22[%swap3A_494], %add3A_491 {strides = array<i32>} : memref<8192xf32, #tpu.memory_space<vmem>>, vector<16xf32>,
      %add3A_496 = arith.constant 15 : i32
      %add3A_497 = arith.addi %multiple_of3A, %add3A_496 : i32
      %get3A_498 = arith.index_cast %add3A_497 : i32 to index
      %get3A_499 = arith.constant 0 : index
      %get3A_500 = tpu.vector_load %arg19[%get3A_498, %get3A_499] {strides = array<i32>} : memref<512x32xf32, #tpu.memory_space<vmem>>, vector<16xf32>,
      %get3A_501 = arith.index_cast %add3A_497 : i32 to index
      %get3A_502 = arith.constant 0 : index
      %get3A_503 = tpu.vector_load %arg20[%get3A_501, %get3A_502] {strides = array<i32>} : memref<512x32xf32, #tpu.memory_space<vmem>>, vector<16xf32>,
      %mul3A_504 = arith.mulf %get3A_500, %get3A_503 : vector<16xf32>
      %get3A_505 = arith.index_cast %add3A_497 : i32 to index
      %get3A_506 = arith.constant 0 : index
      %get3A_507 = tpu.vector_load %arg21[%get3A_505, %get3A_506] {strides = array<i32>} : memref<512x32xf32, #tpu.memory_space<vmem>>, vector<16xf32>,
      %mul3A_508 = arith.mulf %mul3A_504, %get3A_507 : vector<16xf32>
      %get3A_509 = arith.index_cast %add3A_497 : i32 to index
      %get3A_510 = arith.constant 16 : index
      %get3A_511 = tpu.vector_load %arg19[%get3A_509, %get3A_510] {strides = array<i32>} : memref<512x32xf32, #tpu.memory_space<vmem>>, vector<16xf32>,
      %get3A_512 = arith.index_cast %add3A_497 : i32 to index
      %get3A_513 = arith.constant 16 : index
      %get3A_514 = tpu.vector_load %arg20[%get3A_512, %get3A_513] {strides = array<i32>} : memref<512x32xf32, #tpu.memory_space<vmem>>, vector<16xf32>,
      %mul3A_515 = arith.mulf %get3A_511, %get3A_514 : vector<16xf32>
      %get3A_516 = arith.index_cast %add3A_497 : i32 to index
      %get3A_517 = arith.constant 16 : index
      %get3A_518 = tpu.vector_load %arg21[%get3A_516, %get3A_517] {strides = array<i32>} : memref<512x32xf32, #tpu.memory_space<vmem>>, vector<16xf32>,
      %mul3A_519 = arith.mulf %mul3A_515, %get3A_518 : vector<16xf32>
      %add3A_520 = arith.addf %mul3A_508, %mul3A_519 : vector<16xf32>
      %mul3A_521 = arith.constant 16 : i32
      %mul3A_522 = arith.muli %add3A_497, %mul3A_521 : i32
      %swap3A_523 = arith.index_cast %mul3A_522 : i32 to index
      %swap3A_524 = tpu.vector_load %arg22[%swap3A_523] {strides = array<i32>} : memref<8192xf32, #tpu.memory_space<vmem>>, vector<16xf32>,
      tpu.vector_store %arg22[%swap3A_523], %add3A_520 {strides = array<i32>} : memref<8192xf32, #tpu.memory_space<vmem>>, vector<16xf32>,
      %iota3A = tpu.iota {dimensions = array<i32: 0>} : vector<16xi32>
      %add3A_525 = vector.broadcast %multiple_of3A : i32 to vector<16xi32>
      %add3A_526 = arith.addi %add3A_525, %iota3A : vector<16xi32>
      %mul3A_527 = arith.constant 16 : i32
      %mul3A_528 = vector.broadcast %mul3A_527 : i32 to vector<16xi32>
      %mul3A_529 = arith.muli %add3A_526, %mul3A_528 : vector<16xi32>
      %broadcast_in_dim3A = arith.constant 0.000000e+00 : f32
      %broadcast_in_dim3A_530 = vector.broadcast %broadcast_in_dim3A : f32 to vector<16xf32>
      %add3A_531 = arith.constant 0 : i32
      %add3A_532 = vector.broadcast %add3A_531 : i32 to vector<16xi32>
      %add3A_533 = arith.addi %mul3A_529, %add3A_532 : vector<16xi32>
      %gather3A = tpu.vector_load_idx %arg22[%add3A_533] : memref<8192xf32, #tpu.memory_space<vmem>>[vector<16xi32>], vector<16xf32>,
      %add3A_534 = arith.addf %broadcast_in_dim3A_530, %gather3A : vector<16xf32>
      %add3A_535 = arith.constant 1 : i32
      %add3A_536 = vector.broadcast %add3A_535 : i32 to vector<16xi32>
      %add3A_537 = arith.addi %mul3A_529, %add3A_536 : vector<16xi32>
      %gather3A_538 = tpu.vector_load_idx %arg22[%add3A_537] : memref<8192xf32, #tpu.memory_space<vmem>>[vector<16xi32>], vector<16xf32>,
      %add3A_539 = arith.addf %add3A_534, %gather3A_538 : vector<16xf32>
      %add3A_540 = arith.constant 2 : i32
      %add3A_541 = vector.broadcast %add3A_540 : i32 to vector<16xi32>
      %add3A_542 = arith.addi %mul3A_529, %add3A_541 : vector<16xi32>
      %gather3A_543 = tpu.vector_load_idx %arg22[%add3A_542] : memref<8192xf32, #tpu.memory_space<vmem>>[vector<16xi32>], vector<16xf32>,
      %add3A_544 = arith.addf %add3A_539, %gather3A_543 : vector<16xf32>
      %add3A_545 = arith.constant 3 : i32
      %add3A_546 = vector.broadcast %add3A_545 : i32 to vector<16xi32>
      %add3A_547 = arith.addi %mul3A_529, %add3A_546 : vector<16xi32>
      %gather3A_548 = tpu.vector_load_idx %arg22[%add3A_547] : memref<8192xf32, #tpu.memory_space<vmem>>[vector<16xi32>], vector<16xf32>,
      %add3A_549 = arith.addf %add3A_544, %gather3A_548 : vector<16xf32>
      %add3A_550 = arith.constant 4 : i32
      %add3A_551 = vector.broadcast %add3A_550 : i32 to vector<16xi32>
      %add3A_552 = arith.addi %mul3A_529, %add3A_551 : vector<16xi32>
      %gather3A_553 = tpu.vector_load_idx %arg22[%add3A_552] : memref<8192xf32, #tpu.memory_space<vmem>>[vector<16xi32>], vector<16xf32>,
      %add3A_554 = arith.addf %add3A_549, %gather3A_553 : vector<16xf32>
      %add3A_555 = arith.constant 5 : i32
      %add3A_556 = vector.broadcast %add3A_555 : i32 to vector<16xi32>
      %add3A_557 = arith.addi %mul3A_529, %add3A_556 : vector<16xi32>
      %gather3A_558 = tpu.vector_load_idx %arg22[%add3A_557] : memref<8192xf32, #tpu.memory_space<vmem>>[vector<16xi32>], vector<16xf32>,
      %add3A_559 = arith.addf %add3A_554, %gather3A_558 : vector<16xf32>
      %add3A_560 = arith.constant 6 : i32
      %add3A_561 = vector.broadcast %add3A_560 : i32 to vector<16xi32>
      %add3A_562 = arith.addi %mul3A_529, %add3A_561 : vector<16xi32>
      %gather3A_563 = tpu.vector_load_idx %arg22[%add3A_562] : memref<8192xf32, #tpu.memory_space<vmem>>[vector<16xi32>], vector<16xf32>,
      %add3A_564 = arith.addf %add3A_559, %gather3A_563 : vector<16xf32>
      %add3A_565 = arith.constant 7 : i32
      %add3A_566 = vector.broadcast %add3A_565 : i32 to vector<16xi32>
      %add3A_567 = arith.addi %mul3A_529, %add3A_566 : vector<16xi32>
      %gather3A_568 = tpu.vector_load_idx %arg22[%add3A_567] : memref<8192xf32, #tpu.memory_space<vmem>>[vector<16xi32>], vector<16xf32>,
      %add3A_569 = arith.addf %add3A_564, %gather3A_568 : vector<16xf32>
      %add3A_570 = arith.constant 8 : i32
      %add3A_571 = vector.broadcast %add3A_570 : i32 to vector<16xi32>
      %add3A_572 = arith.addi %mul3A_529, %add3A_571 : vector<16xi32>
      %gather3A_573 = tpu.vector_load_idx %arg22[%add3A_572] : memref<8192xf32, #tpu.memory_space<vmem>>[vector<16xi32>], vector<16xf32>,
      %add3A_574 = arith.addf %add3A_569, %gather3A_573 : vector<16xf32>
      %add3A_575 = arith.constant 9 : i32
      %add3A_576 = vector.broadcast %add3A_575 : i32 to vector<16xi32>
      %add3A_577 = arith.addi %mul3A_529, %add3A_576 : vector<16xi32>
      %gather3A_578 = tpu.vector_load_idx %arg22[%add3A_577] : memref<8192xf32, #tpu.memory_space<vmem>>[vector<16xi32>], vector<16xf32>,
      %add3A_579 = arith.addf %add3A_574, %gather3A_578 : vector<16xf32>
      %add3A_580 = arith.constant 10 : i32
      %add3A_581 = vector.broadcast %add3A_580 : i32 to vector<16xi32>
      %add3A_582 = arith.addi %mul3A_529, %add3A_581 : vector<16xi32>
      %gather3A_583 = tpu.vector_load_idx %arg22[%add3A_582] : memref<8192xf32, #tpu.memory_space<vmem>>[vector<16xi32>], vector<16xf32>,
      %add3A_584 = arith.addf %add3A_579, %gather3A_583 : vector<16xf32>
      %add3A_585 = arith.constant 11 : i32
      %add3A_586 = vector.broadcast %add3A_585 : i32 to vector<16xi32>
      %add3A_587 = arith.addi %mul3A_529, %add3A_586 : vector<16xi32>
      %gather3A_588 = tpu.vector_load_idx %arg22[%add3A_587] : memref<8192xf32, #tpu.memory_space<vmem>>[vector<16xi32>], vector<16xf32>,
      %add3A_589 = arith.addf %add3A_584, %gather3A_588 : vector<16xf32>
      %add3A_590 = arith.constant 12 : i32
      %add3A_591 = vector.broadcast %add3A_590 : i32 to vector<16xi32>
      %add3A_592 = arith.addi %mul3A_529, %add3A_591 : vector<16xi32>
      %gather3A_593 = tpu.vector_load_idx %arg22[%add3A_592] : memref<8192xf32, #tpu.memory_space<vmem>>[vector<16xi32>], vector<16xf32>,
      %add3A_594 = arith.addf %add3A_589, %gather3A_593 : vector<16xf32>
      %add3A_595 = arith.constant 13 : i32
      %add3A_596 = vector.broadcast %add3A_595 : i32 to vector<16xi32>
      %add3A_597 = arith.addi %mul3A_529, %add3A_596 : vector<16xi32>
      %gather3A_598 = tpu.vector_load_idx %arg22[%add3A_597] : memref<8192xf32, #tpu.memory_space<vmem>>[vector<16xi32>], vector<16xf32>,
      %add3A_599 = arith.addf %add3A_594, %gather3A_598 : vector<16xf32>
      %add3A_600 = arith.constant 14 : i32
      %add3A_601 = vector.broadcast %add3A_600 : i32 to vector<16xi32>
      %add3A_602 = arith.addi %mul3A_529, %add3A_601 : vector<16xi32>
      %gather3A_603 = tpu.vector_load_idx %arg22[%add3A_602] : memref<8192xf32, #tpu.memory_space<vmem>>[vector<16xi32>], vector<16xf32>,
      %add3A_604 = arith.addf %add3A_599, %gather3A_603 : vector<16xf32>
      %add3A_605 = arith.constant 15 : i32
      %add3A_606 = vector.broadcast %add3A_605 : i32 to vector<16xi32>
      %add3A_607 = arith.addi %mul3A_529, %add3A_606 : vector<16xi32>
      %gather3A_608 = tpu.vector_load_idx %arg22[%add3A_607] : memref<8192xf32, #tpu.memory_space<vmem>>[vector<16xi32>], vector<16xf32>,
      %add3A_609 = arith.addf %add3A_604, %gather3A_608 : vector<16xf32>
      %neg3A = arith.constant 0.000000e+00 : f32
      %neg3A_610 = vector.broadcast %neg3A : f32 to vector<16xf32>
      %neg3A_611 = arith.subf %neg3A_610, %add3A_609 : vector<16xf32>
      %exp3A = math.exp %neg3A_611 : vector<16xf32>
      %add3A_612 = arith.constant 1.000000e+00 : f32
      %add3A_613 = vector.broadcast %add3A_612 : f32 to vector<16xf32>
      %add3A_614 = arith.addf %add3A_613, %exp3A : vector<16xf32>
      %div3A = arith.constant 1.000000e+00 : f32
      %div3A_615 = vector.broadcast %div3A : f32 to vector<16xf32>
      %div3A_616 = arith.divf %div3A_615, %add3A_614 : vector<16xf32>
      %swap3A_617 = arith.index_cast %multiple_of3A : i32 to index
      %swap3A_618 = tpu.vector_load %arg23[%swap3A_617] {strides = array<i32>} : memref<512xf32, #tpu.memory_space<vmem>>, vector<16xf32>,
      tpu.vector_store %arg23[%swap3A_617], %div3A_616 {strides = array<i32>} : memref<512xf32, #tpu.memory_space<vmem>>, vector<16xf32>,
    }
    %scan3A_47 = arith.constant 32 : i32
    "tpu.region"() ({
      %run_scoped3A = tpu.sem_alloc : memref<!tpu.dma_semaphore, #tpu.memory_space<semaphore_mem>>
      %dma_start3A_60 = tpu.memref_slice %arg15[%mul3A_2] : memref<16384xf32, #tpu.memory_space<hbm>> -> memref<512xf32, #tpu.memory_space<hbm>>
      %dma_start3A_61 = tpu.memref_slice %arg15[%mul3A_2] : memref<16384xf32, #tpu.memory_space<hbm>> -> memref<512xf32, #tpu.memory_space<hbm>>
      tpu.enqueue_dma source(%arg23 : memref<512xf32, #tpu.memory_space<vmem>>) target(%dma_start3A_61 : memref<512xf32, #tpu.memory_space<hbm>>) target_semaphore(%run_scoped3A : memref<!tpu.dma_semaphore, #tpu.memory_space<semaphore_mem>>)
      %dma_wait3A_62 = tpu.memref_slice %arg15[%mul3A_2] : memref<16384xf32, #tpu.memory_space<hbm>> -> memref<512xf32, #tpu.memory_space<hbm>>
      %dma_wait3A_63 = tpu.memref_slice %arg15[%mul3A_2] : memref<16384xf32, #tpu.memory_space<hbm>> -> memref<512xf32, #tpu.memory_space<hbm>>
      tpu.wait_dma2 semaphore(%run_scoped3A : memref<!tpu.dma_semaphore, #tpu.memory_space<semaphore_mem>>) src(%arg23 : memref<512xf32, #tpu.memory_space<vmem>>) dst(%dma_wait3A_63 : memref<512xf32, #tpu.memory_space<hbm>>)
      tpu.yield
    }) : () -> ()
    "tpu.region"() ({
      %run_scoped3A = tpu.sem_alloc : memref<!tpu.dma_semaphore, #tpu.memory_space<semaphore_mem>>
      %dma_start3A_60 = tpu.memref_slice %arg8[%mul3A_2] : memref<16384xi32, #tpu.memory_space<hbm>> -> memref<512xi32, #tpu.memory_space<hbm>>
      %dma_start3A_61 = tpu.memref_slice %arg8[%mul3A_2] : memref<16384xi32, #tpu.memory_space<hbm>> -> memref<512xi32, #tpu.memory_space<hbm>>
      tpu.enqueue_dma source(%dma_start3A_61 : memref<512xi32, #tpu.memory_space<hbm>>) target(%arg18 : memref<512xi32, #tpu.memory_space<vmem>>) target_semaphore(%run_scoped3A : memref<!tpu.dma_semaphore, #tpu.memory_space<semaphore_mem>>)
      %dma_wait3A_62 = tpu.memref_slice %arg8[%mul3A_2] : memref<16384xi32, #tpu.memory_space<hbm>> -> memref<512xi32, #tpu.memory_space<hbm>>
      %dma_wait3A_63 = tpu.memref_slice %arg8[%mul3A_2] : memref<16384xi32, #tpu.memory_space<hbm>> -> memref<512xi32, #tpu.memory_space<hbm>>
      tpu.wait_dma2 semaphore(%run_scoped3A : memref<!tpu.dma_semaphore, #tpu.memory_space<semaphore_mem>>) src(%dma_wait3A_63 : memref<512xi32, #tpu.memory_space<hbm>>) dst(%arg18 : memref<512xi32, #tpu.memory_space<vmem>>)
      tpu.yield
    }) : () -> ()
    %dma_start3A_48 = arith.constant 0 : i32
    %dma_start3A_49 = arith.constant 0 : i32
    %dma_start3A_50 = tpu.memref_slice %arg10[%dma_start3A_48, %dma_start3A_49] : memref<1000000x32xf32, #tpu.memory_space<hbm>> -> memref<1000000x32xf32, #tpu.memory_space<hbm>>
    tpu.enqueue_indirect_dma source(%dma_start3A_50 : memref<1000000x32xf32, #tpu.memory_space<hbm>>) target(%arg19 : memref<512x32xf32, #tpu.memory_space<vmem>>) offsets(%arg18 : memref<512xi32, #tpu.memory_space<vmem>>) semaphore(%arg24 : memref<!tpu.dma_semaphore, #tpu.memory_space<semaphore_mem>>)
    %dma_wait3A_51 = arith.constant 0 : i32
    %dma_wait3A_52 = arith.constant 0 : i32
    %dma_wait3A_53 = tpu.memref_slice %arg10[%dma_wait3A_51, %dma_wait3A_52] : memref<1000000x32xf32, #tpu.memory_space<hbm>> -> memref<1000000x32xf32, #tpu.memory_space<hbm>>
    tpu.wait_indirect_dma semaphore(%arg24 : memref<!tpu.dma_semaphore, #tpu.memory_space<semaphore_mem>>) src(%dma_wait3A_53 : memref<1000000x32xf32, #tpu.memory_space<hbm>>) dst(%arg19 : memref<512x32xf32, #tpu.memory_space<vmem>>)
    "tpu.region"() ({
      %run_scoped3A = tpu.sem_alloc : memref<!tpu.dma_semaphore, #tpu.memory_space<semaphore_mem>>
      %dma_start3A_60 = arith.constant 0 : i32
      %dma_start3A_61 = tpu.memref_slice %arg16[%mul3A_2, %dma_start3A_60] : memref<16384x32xf32, #tpu.memory_space<hbm>> -> memref<512x32xf32, #tpu.memory_space<hbm>>
      %dma_start3A_62 = arith.constant 0 : i32
      %dma_start3A_63 = tpu.memref_slice %arg16[%mul3A_2, %dma_start3A_62] : memref<16384x32xf32, #tpu.memory_space<hbm>> -> memref<512x32xf32, #tpu.memory_space<hbm>>
      tpu.enqueue_dma source(%arg19 : memref<512x32xf32, #tpu.memory_space<vmem>>) target(%dma_start3A_63 : memref<512x32xf32, #tpu.memory_space<hbm>>) target_semaphore(%run_scoped3A : memref<!tpu.dma_semaphore, #tpu.memory_space<semaphore_mem>>)
      %dma_wait3A_64 = arith.constant 0 : i32
      %dma_wait3A_65 = tpu.memref_slice %arg16[%mul3A_2, %dma_wait3A_64] : memref<16384x32xf32, #tpu.memory_space<hbm>> -> memref<512x32xf32, #tpu.memory_space<hbm>>
      %dma_wait3A_66 = arith.constant 0 : i32
      %dma_wait3A_67 = tpu.memref_slice %arg16[%mul3A_2, %dma_wait3A_66] : memref<16384x32xf32, #tpu.memory_space<hbm>> -> memref<512x32xf32, #tpu.memory_space<hbm>>
      tpu.wait_dma2 semaphore(%run_scoped3A : memref<!tpu.dma_semaphore, #tpu.memory_space<semaphore_mem>>) src(%arg19 : memref<512x32xf32, #tpu.memory_space<vmem>>) dst(%dma_wait3A_67 : memref<512x32xf32, #tpu.memory_space<hbm>>)
      tpu.yield
    }) : () -> ()
    "tpu.region"() ({
      %run_scoped3A = tpu.sem_alloc : memref<!tpu.dma_semaphore, #tpu.memory_space<semaphore_mem>>
      %dma_start3A_60 = tpu.memref_slice %arg9[%mul3A_2] : memref<16384xi32, #tpu.memory_space<hbm>> -> memref<512xi32, #tpu.memory_space<hbm>>
      %dma_start3A_61 = tpu.memref_slice %arg9[%mul3A_2] : memref<16384xi32, #tpu.memory_space<hbm>> -> memref<512xi32, #tpu.memory_space<hbm>>
      tpu.enqueue_dma source(%dma_start3A_61 : memref<512xi32, #tpu.memory_space<hbm>>) target(%arg18 : memref<512xi32, #tpu.memory_space<vmem>>) target_semaphore(%run_scoped3A : memref<!tpu.dma_semaphore, #tpu.memory_space<semaphore_mem>>)
      %dma_wait3A_62 = tpu.memref_slice %arg9[%mul3A_2] : memref<16384xi32, #tpu.memory_space<hbm>> -> memref<512xi32, #tpu.memory_space<hbm>>
      %dma_wait3A_63 = tpu.memref_slice %arg9[%mul3A_2] : memref<16384xi32, #tpu.memory_space<hbm>> -> memref<512xi32, #tpu.memory_space<hbm>>
      tpu.wait_dma2 semaphore(%run_scoped3A : memref<!tpu.dma_semaphore, #tpu.memory_space<semaphore_mem>>) src(%dma_wait3A_63 : memref<512xi32, #tpu.memory_space<hbm>>) dst(%arg18 : memref<512xi32, #tpu.memory_space<vmem>>)
      tpu.yield
    }) : () -> ()
    %dma_start3A_54 = arith.constant 0 : i32
    %dma_start3A_55 = arith.constant 0 : i32
    %dma_start3A_56 = tpu.memref_slice %arg11[%dma_start3A_54, %dma_start3A_55] : memref<1000000x32xf32, #tpu.memory_space<hbm>> -> memref<1000000x32xf32, #tpu.memory_space<hbm>>
    tpu.enqueue_indirect_dma source(%dma_start3A_56 : memref<1000000x32xf32, #tpu.memory_space<hbm>>) target(%arg21 : memref<512x32xf32, #tpu.memory_space<vmem>>) offsets(%arg18 : memref<512xi32, #tpu.memory_space<vmem>>) semaphore(%arg24 : memref<!tpu.dma_semaphore, #tpu.memory_space<semaphore_mem>>)
    %dma_wait3A_57 = arith.constant 0 : i32
    %dma_wait3A_58 = arith.constant 0 : i32
    %dma_wait3A_59 = tpu.memref_slice %arg11[%dma_wait3A_57, %dma_wait3A_58] : memref<1000000x32xf32, #tpu.memory_space<hbm>> -> memref<1000000x32xf32, #tpu.memory_space<hbm>>
    tpu.wait_indirect_dma semaphore(%arg24 : memref<!tpu.dma_semaphore, #tpu.memory_space<semaphore_mem>>) src(%dma_wait3A_59 : memref<1000000x32xf32, #tpu.memory_space<hbm>>) dst(%arg21 : memref<512x32xf32, #tpu.memory_space<vmem>>)
    "tpu.region"() ({
      %run_scoped3A = tpu.sem_alloc : memref<!tpu.dma_semaphore, #tpu.memory_space<semaphore_mem>>
      %dma_start3A_60 = arith.constant 0 : i32
      %dma_start3A_61 = tpu.memref_slice %arg17[%mul3A_2, %dma_start3A_60] : memref<16384x32xf32, #tpu.memory_space<hbm>> -> memref<512x32xf32, #tpu.memory_space<hbm>>
      %dma_start3A_62 = arith.constant 0 : i32
      %dma_start3A_63 = tpu.memref_slice %arg17[%mul3A_2, %dma_start3A_62] : memref<16384x32xf32, #tpu.memory_space<hbm>> -> memref<512x32xf32, #tpu.memory_space<hbm>>
      tpu.enqueue_dma source(%arg21 : memref<512x32xf32, #tpu.memory_space<vmem>>) target(%dma_start3A_63 : memref<512x32xf32, #tpu.memory_space<hbm>>) target_semaphore(%run_scoped3A : memref<!tpu.dma_semaphore, #tpu.memory_space<semaphore_mem>>)
      %dma_wait3A_64 = arith.constant 0 : i32
      %dma_wait3A_65 = tpu.memref_slice %arg17[%mul3A_2, %dma_wait3A_64] : memref<16384x32xf32, #tpu.memory_space<hbm>> -> memref<512x32xf32, #tpu.memory_space<hbm>>
      %dma_wait3A_66 = arith.constant 0 : i32
      %dma_wait3A_67 = tpu.memref_slice %arg17[%mul3A_2, %dma_wait3A_66] : memref<16384x32xf32, #tpu.memory_space<hbm>> -> memref<512x32xf32, #tpu.memory_space<hbm>>
      tpu.wait_dma2 semaphore(%run_scoped3A : memref<!tpu.dma_semaphore, #tpu.memory_space<semaphore_mem>>) src(%arg21 : memref<512x32xf32, #tpu.memory_space<vmem>>) dst(%dma_wait3A_67 : memref<512x32xf32, #tpu.memory_space<hbm>>)
      tpu.yield
    }) : () -> ()
    return
  }
}

module attributes {stable_mosaic.version = 14 : i64} {
  func.func @_mlp_body(%arg0: memref<16384x32xf32, #tpu.memory_space<vmem>>, %arg1: memref<16384x32xf32, #tpu.memory_space<vmem>>, %arg2: memref<32x32xf32, #tpu.memory_space<vmem>>, %arg3: memref<32x32xf32, #tpu.memory_space<vmem>>, %arg4: memref<32xf32, #tpu.memory_space<vmem>>, %arg5: memref<1x32xf32, #tpu.memory_space<vmem>>, %arg6: memref<1xf32, #tpu.memory_space<vmem>>, %arg7: memref<16384xf32, #tpu.memory_space<vmem>>) attributes {dimension_semantics = [], scalar_prefetch = 0 : i64, scratch_operands = 0 : i64, tpu.core_type = #tpu.core_type<tc>} {
    %get3A = arith.constant 0 : index
    %get3A_0 = arith.constant 0 : index
    %get3A_1 = vector.load %arg0[%get3A, %get3A_0] : memref<16384x32xf32, #tpu.memory_space<vmem>>, vector<16384x32xf32>
    %get3A_2 = arith.constant 0 : index
    %get3A_3 = arith.constant 0 : index
    %get3A_4 = vector.load %arg2[%get3A_2, %get3A_3] : memref<32x32xf32, #tpu.memory_space<vmem>>, vector<32x32xf32>
    %dot_general3A = arith.constant dense<0.000000e+00> : vector<16384x32xf32>
    %dot_general3A_5 = tpu.matmul %get3A_1, %get3A_4, %dot_general3A {dimension_numbers = #tpu.dot_dimension_numbers<[1], [0], [0], [1], [0, 0, 1, 1], [], []>, transpose_lhs_hint = false} : vector<16384x32xf32>, vector<32x32xf32>, vector<16384x32xf32> -> vector<16384x32xf32>
    %get3A_6 = arith.constant 0 : index
    %get3A_7 = arith.constant 0 : index
    %get3A_8 = vector.load %arg1[%get3A_6, %get3A_7] : memref<16384x32xf32, #tpu.memory_space<vmem>>, vector<16384x32xf32>
    %get3A_9 = arith.constant 0 : index
    %get3A_10 = arith.constant 0 : index
    %get3A_11 = vector.load %arg3[%get3A_9, %get3A_10] : memref<32x32xf32, #tpu.memory_space<vmem>>, vector<32x32xf32>
    %dot_general3A_12 = arith.constant dense<0.000000e+00> : vector<16384x32xf32>
    %dot_general3A_13 = tpu.matmul %get3A_8, %get3A_11, %dot_general3A_12 {dimension_numbers = #tpu.dot_dimension_numbers<[1], [0], [0], [1], [0, 0, 1, 1], [], []>, transpose_lhs_hint = false} : vector<16384x32xf32>, vector<32x32xf32>, vector<16384x32xf32> -> vector<16384x32xf32>
    %add3A = arith.addf %dot_general3A_5, %dot_general3A_13 : vector<16384x32xf32>
    %get3A_14 = arith.constant 0 : index
    %get3A_15 = vector.load %arg4[%get3A_14] : memref<32xf32, #tpu.memory_space<vmem>>, vector<32xf32>
    %broadcast_in_dim3A = vector.shape_cast %get3A_15 : vector<32xf32> to vector<1x32xf32>
    %add3A_16 = vector.broadcast %broadcast_in_dim3A : vector<1x32xf32> to vector<16384x32xf32>
    %add3A_17 = arith.addf %add3A, %add3A_16 : vector<16384x32xf32>
    %max3A = arith.constant 0.000000e+00 : f32
    %max3A_18 = vector.broadcast %max3A : f32 to vector<16384x32xf32>
    %max3A_19 = arith.maximumf %add3A_17, %max3A_18 : vector<16384x32xf32>
    %get3A_20 = arith.constant 0 : index
    %get3A_21 = arith.constant 0 : index
    %get3A_22 = vector.load %arg5[%get3A_20, %get3A_21] : memref<1x32xf32, #tpu.memory_space<vmem>>, vector<1x32xf32>
    %mul3A = vector.broadcast %get3A_22 : vector<1x32xf32> to vector<16384x32xf32>
    %mul3A_23 = arith.mulf %max3A_19, %mul3A : vector<16384x32xf32>
    %reduce_sum3A = arith.constant dense<0.000000e+00> : vector<16384xf32>
    %reduce_sum3A_24 = vector.multi_reduction <add>, %mul3A_23, %reduce_sum3A [1] : vector<16384x32xf32> to vector<16384xf32>
    %get3A_25 = arith.constant 0 : index
    %get3A_26 = vector.load %arg6[%get3A_25] : memref<1xf32, #tpu.memory_space<vmem>>, vector<1xf32>
    %get3A_27 = vector.extract %get3A_26[0] : f32 from vector<1xf32>
    %add3A_28 = vector.broadcast %get3A_27 : f32 to vector<16384xf32>
    %add3A_29 = arith.addf %reduce_sum3A_24, %add3A_28 : vector<16384xf32>
    %neg3A = arith.constant 0.000000e+00 : f32
    %neg3A_30 = vector.broadcast %neg3A : f32 to vector<16384xf32>
    %neg3A_31 = arith.subf %neg3A_30, %add3A_29 : vector<16384xf32>
    %exp3A = math.exp %neg3A_31 : vector<16384xf32>
    %add3A_32 = arith.constant 1.000000e+00 : f32
    %add3A_33 = vector.broadcast %add3A_32 : f32 to vector<16384xf32>
    %add3A_34 = arith.addf %add3A_33, %exp3A : vector<16384xf32>
    %div3A = arith.constant 1.000000e+00 : f32
    %div3A_35 = vector.broadcast %div3A : f32 to vector<16384xf32>
    %div3A_36 = arith.divf %div3A_35, %add3A_34 : vector<16384xf32>
    %swap3A = arith.constant 0 : index
    %swap3A_37 = vector.load %arg7[%swap3A] : memref<16384xf32, #tpu.memory_space<vmem>>, vector<16384xf32>
    tpu.vector_store %arg7[%swap3A], %div3A_36 {strides = array<i32>} : memref<16384xf32, #tpu.memory_space<vmem>>, vector<16384xf32>,
    return
  }
}

</mosaic_0001>

<sc_bundles>
// kernel: kernel.4.cloned.1.call-start
scs
__scs_entry_jumppad:
0x0: {  	(pc) =	sbr.rel $0x88, $3  }
0x1: {  	(tag) =	ssettag $0x0;
	lr =	simm.s32 $0x1  }
0x2: {  	[smem:$0x3F92] =	sst lr;
	_ =	strace $0xD0000000  }
0x3: {  	_ = 	snop  }
0x4: {  	_ = 	snop  }
0x5: {  	_ = 	snop  }
0x6: {  	_ = 	snop  }
0x7: {  	_ = 	snop  }
__scs_overlays_trampoline_lowered:
0x8: {  	[smem:$0x3FA1] =	sst s0  }
0x9: {  	[smem:$0x3FA2] =	sst s1  }
0xa: {  	[smem:$0x3FA3] =	sst s2  }
0xb: {  	[smem:$0x3FA4] =	sst s3  }
0xc: {  	[smem:$0x3FA5] =	sst s4  }
0xd: {  	[smem:$0x3FA6] =	sst s5  }
0xe: {  	[smem:$0x3FA7] =	sst s6  }
0xf: {  	[smem:$0x3FA8] =	sst s7  }
0x10: {  	[smem:$0x3FA9] =	sst s8  }
0x11: {  	[smem:$0x3FAA] =	sst s9;
	s0 =	simm.s32 @!p0 $0x0  }
0x12: {  	s1 =	sld [smem:$0x3F90];
	s0 =	simm.s32 @p0 $0x1  }
0x13: {  	[smem:$0x3FAB] =	sst s0;
	s0 =	simm.s32 @!p1 $0x0  }
0x14: {  	s2 =	sld [smem:$0x3F8F];
	s0 =	simm.s32 @p1 $0x1  }
0x15: {  	[smem:$0x3FAC] =	sst s0;
	s0 =	simm.s32 @!p2 $0x0  }
0x16: {  	s3 =	sld [smem:$0x3FDB];
	s0 =	simm.s32 @p2 $0x1  }
0x17: {  	s4 =	simm.s32 $0x1BF5;
	[smem:$0x3FAE] =	sst s0  }
0x18: {  	s0 =	sld [smem:$0x3F91];
	_ =	swait.ge [sflag:s4], $0x0  }
0x19: {  	s7 =	sld [smem:$0x3F92]  }
0x1a: {  	s8 =	sadd.s32 $0xFFFFE003, lr  }
0x1b: {  	s9 =	sadd.s32 $0xFFFFFEF7, lr;
	s5 =	simm.s32 $0xFFFFFFFF;
	p2 =	slt.u32 s8, $0xFFFFF086  }
0x1c: {  	p1 =	slt.u32 s9, $0xF7A;
	s5 =	simm.s32 @!p2 $0x0  }
0x1d: {  	s5 =	simm.s32 @p1 $0x1;
	p0 =	seq.s32 s7, s2  }
0x1e: {  	s7 =	smul.u32 @!p0 $0xF7A, s2;
	p2 =	seq.s32 @!p0 s5, $0x0  }
0x1f: {  	s9 =	smul.u32 $0xF7A, s1;
	s8 =	simm.s32 @!p0 $0x1BF5;
	p2 =	por !p2, p0  }
0x20: {  	[sflag:s8] =	ssyncset.s32 @!p0 $0xFFFFF086;
	s6 =	sadd.s32 @!p0 s3, s7;
	s7 =	simm.s32 @!p0 $0x108  }
0x21: {  	s3 =	sadd.s32 s3, s9;
	s6 =	sadd.s32 @!p0 $0x88, s6;
	s7 =	simm.s32 @p2 $0x1082  }
0x22: {  	[simem:s7], [sflag:s8] =	dma.local @!p0 [hbm:s6], $0xF7A  }
0x23: {  	s9 =	sor.u32 $0xD0000000, s2;
	s6 =	simm.s32 $0x108;
	_ =	swait.ge @!p0 [sflag:s8], $0x0  }
0x24: {  	s3 =	sadd.s32 $0x88, s3;
	s6 =	simm.s32 @!p1 $0x1082;
	[sflag:s4] =	ssyncset.s32 $0xFFFFF086  }
0x25: {  	[simem:s6], [sflag:s4] =	dma.local [hbm:s3], $0xF7A  }
0x26: {  	[smem:$0x3F92] =	sst s1;
	(tag) =	ssettag s2;
	_ =	strace s9  }
0x27: {  	s1 =	sld [smem:$0x3FA2]  }
0x28: {  	s2 =	sld [smem:$0x3FA3]  }
0x29: {  	s4 =	sld [smem:$0x3FA5]  }
0x2a: {  	p0 =	seq.s32 s5, $0x0;
	s5 =	sld [smem:$0x3FA6]  }
0x2b: {  	s6 =	sld [smem:$0x3FA7]  }
0x2c: {  	s7 =	sld [smem:$0x3FA8]  }
0x2d: {  	s3 =	simm.s32 $0x108;
	s8 =	sld [smem:$0x3FA9]  }
0x2e: {  	s3 =	simm.s32 @!p0 $0x1082;
	s9 =	sld [smem:$0x3FAA]  }
0x2f: {  	lr =	sadd.s32 s0, s3;
	s0 =	sld [smem:$0x3FA1]  }
0x30: {  	s3 =	sld [smem:$0x3FA4]  }
0x31: {  	[smem:$0x3FAD] =	sst s10  }
0x32: {  	s10 =	sld [smem:$0x3FAB];
	_ =	sdelay $0x3  }
0x33: {  	p0 =	seq.s32 s10, $0x1;
	s10 =	sld [smem:$0x3FAD];
	_ =	sdelay $0x3  }
0x34: {  	[smem:$0x3FAD] =	sst s10  }
0x35: {  	s10 =	sld [smem:$0x3FAC];
	_ =	sdelay $0x3  }
0x36: {  	p1 =	seq.s32 s10, $0x1;
	s10 =	sld [smem:$0x3FAD];
	_ =	sdelay $0x3  }
0x37: {  	[smem:$0x3FAD] =	sst s10  }
0x38: {  	s10 =	sld [smem:$0x3FAE]  }
0x39: {  	_ = 	snop;
	(pc) =	sbr.ind lr, $3  }
0x3a: {  	_ = 	snop  }
0x3b: {  	_ = 	snop  }
0x3c: {  	p2 =	seq.s32 s10, $0x1;
	s10 =	sld [smem:$0x3FAD]  }
0x3d: {  	_ =	shalt  }
0x3e: {  	_ =	shalt  }
0x3f: {  	_ =	shalt  }
0x40: {  	_ =	shalt  }
0x41: {  	_ =	shalt  }
0x42: {  	_ =	shalt  }
0x43: {  	_ =	shalt  }
0x44: {  	_ =	shalt  }
0x45: {  	_ =	shalt  }
0x46: {  	_ =	shalt  }
0x47: {  	_ =	shalt  }
0x48: {  	_ =	shalt  }
0x49: {  	_ =	shalt  }
0x4a: {  	_ =	shalt  }
0x4b: {  	_ =	shalt  }
0x4c: {  	_ =	shalt  }
0x4d: {  	_ =	shalt  }
0x4e: {  	_ =	shalt  }
0x4f: {  	_ =	shalt  }
0x50: {  	_ =	shalt  }
0x51: {  	_ =	shalt  }
0x52: {  	_ =	shalt  }
0x53: {  	_ =	shalt  }
0x54: {  	_ =	shalt  }
0x55: {  	_ =	shalt  }
0x56: {  	_ =	shalt  }
0x57: {  	_ =	shalt  }
0x58: {  	_ =	shalt  }
0x59: {  	_ =	shalt  }
0x5a: {  	_ =	shalt  }
0x5b: {  	_ =	shalt  }
0x5c: {  	_ =	shalt  }
0x5d: {  	_ =	shalt  }
0x5e: {  	_ =	shalt  }
0x5f: {  	_ =	shalt  }
0x60: {  	_ =	shalt  }
0x61: {  	_ =	shalt  }
0x62: {  	_ =	shalt  }
0x63: {  	_ =	shalt  }
0x64: {  	_ =	shalt  }
0x65: {  	_ =	shalt  }
0x66: {  	_ =	shalt  }
0x67: {  	_ =	shalt  }
0x68: {  	_ =	shalt  }
0x69: {  	_ =	shalt  }
0x6a: {  	_ =	shalt  }
0x6b: {  	_ =	shalt  }
0x6c: {  	_ =	shalt  }
0x6d: {  	_ =	shalt  }
0x6e: {  	_ =	shalt  }
0x6f: {  	_ =	shalt  }
0x70: {  	_ =	shalt  }
0x71: {  	_ =	shalt  }
0x72: {  	_ =	shalt  }
0x73: {  	_ =	shalt  }
0x74: {  	_ =	shalt  }
0x75: {  	_ =	shalt  }
0x76: {  	_ =	shalt  }
0x77: {  	_ =	shalt  }
0x78: {  	_ =	shalt  }
0x79: {  	_ =	shalt  }
0x7a: {  	_ =	shalt  }
0x7b: {  	_ =	shalt  }
0x7c: {  	_ =	shalt  }
0x7d: {  	_ =	shalt  }
0x7e: {  	_ =	shalt  }
0x7f: {  	_ =	shalt  }
0x80: {  	_ =	shalt  }
0x81: {  	_ =	shalt  }
0x82: {  	_ =	shalt  }
0x83: {  	_ =	shalt  }
0x84: {  	_ =	shalt  }
0x85: {  	_ =	shalt  }
0x86: {  	_ =	shalt  }
0x87: {  	_ =	shalt  }
.Lfunc_end0:
.L_simem_size_0:
called_computation_lowered:
.L_overlay_start_0:
0x88: {  	s2 =	sld [smem:$0x3FD9]  }
0x89: {  	s3 =	sld [smem:$0x3FFE];
	_ =	sdelay $0x1  }
0x8a: {  	s1 =	srdreg.scid  }
0x8b: {  	s0 =	sand.u32 $0x1, s1  }
0x8c: {  	s14 =	sshll.u32 s0, $0xA;
	s2 =	sadd.s32 s3, s2  }
0x8d: {  	s2 =	sadd.s32 s2, s14  }
0x8e: {  	[smem:$0x3FB9] =	sst s2  }
0x8f: {  	_ = 	snop  }
0x90: {  	s2 =	sld [smem:$0x3FD0];
	_ =	sdelay $0x2  }
0x91: {  	s15 =	simm.s32 $0xA;
	s4 =	simm.s32 $0x10  }
0x92: {  	[smem:s4], [sflag:s15] =	dma.local [hbm:s2], $0x1  }
0x93: {  	_ =	swait.eq [sflag:s15], $0x1  }
0x94: {  	s16 =	sld [smem:$0x10];
	[sflag:s15] =	ssyncset.done $0x0  }
0x95: {  	s17 =	sld [smem:$0x11];
	[sflag:s15] =	ssyncadd.s32 $0xFFFFFFFF  }
0x96: {  	s18 =	sld [smem:$0x12];
	(tm) =	ssettm $0x1  }
0x97: {  	s5 =	sld [smem:$0x3FFB];
	_ =	sdelay $0x3  }
0x98: {  	_ =	strace s5  }
0x99: {  	s5 =	sld [smem:$0x3FFC];
	_ =	sdelay $0x3  }
0x9a: {  	_ =	strace s5  }
0x9b: {  	s5 =	sld [smem:$0x3FFD];
	_ =	sdelay $0x3  }
0x9c: {  	_ =	strace s5  }
0x9d: {  	_ =	strace $0x8FFFFFFF  }
0x9e: {  	s19 =	sld [smem:$0x3FDB];
	_ =	sdelay $0x1  }
0x9f: {  	s6 =	simm.s32 $_scs_section_size  }
0xa0: {  	s7 =	simm.s32 $_size__tile_overlayer_lowered;
	s8 =	simm.s32 $_tile_overlayer_lowered  }
0xa1: {  	s22 =	simm.s32 $0x1BFF;
	s21 =	sshll.u32 s8, $0x1;
	s5 =	sadd.s32 s6, s19  }
0xa2: {  	s9 =	simm.s32 $0x0;
	s20 =	sshll.u32 s7, $0x1;
	s7 =	sadd.s32 s21, s5  }
0xa3: {  	[timem:s9], [sflag:s22] =	dma.local [hbm:s7], s20  }
0xa4: {  	_ =	swait.ge [sflag:s22], s20  }
0xa5: {  	s6 =	ssub.s32 $0x0, s20;
	[sflag:s22] =	ssyncset.done $0x0  }
0xa6: {  	[sflag:s22] =	ssyncadd.s32 s6;
	_ =	sdelay $0x1  }
0xa7: {  	s23 =	simm.s32 $0x1B8B  }
0xa8: {  	_ =	swait.ge [sflag:s23], $0x1  }
0xa9: {  	[sflag:s23] =	ssyncset.done $0x0  }
0xaa: {  	s25 =	simm.s32 $0x1B8E;
	s24 =	sld [smem:$0x3FFE];
	[sflag:s23] =	ssyncadd.s32 $0xFFFFFFFF  }
0xab: {  	s26 =	simm.s32 $execute0_lowered;
	[smem:$0x3FD2] =	sst s25  }
0xac: {  	s7 =	sshll.u32 s26, $0x1;
	_ =	strace $0x80000046;
	[dreg:$0x1] =	wrdreg $0xFFFFFFFF  }
0xad: {  	s28 =	simm.s32 $_size_execute0_lowered;
	s5 =	sadd.s32 s5, s7;
	[dreg:$0x0] =	wrdreg $0x0  }
0xae: {  	s7 =	sshll.u32 s28, $0x1;
	[dreg:$0x2] =	wrdreg s5  }
0xaf: {  	[dreg:$0x3] =	wrdreg s7  }
0xb0: {  	[dreg:$0x4] =	wrdreg $0xC0  }
0xb1: {  	_ =	task [dreg:s9], $0x5FFFF  }
0xb2: {  	[dreg:$0x1] =	wrdreg $0xFFFFFFFF  }
0xb3: {  	[dreg:$0x0] =	wrdreg $0x60  }
0xb4: {  	[dreg:$0x2] =	wrdreg s24  }
0xb5: {  	[dreg:$0x3] =	wrdreg s18  }
0xb6: {  	[dreg:$0x4] =	wrdreg s16  }
0xb7: {  	[dreg:$0x5] =	wrdreg s17  }
0xb8: {  	[dreg:$0x6] =	wrdreg $0x9  }
0xb9: {  	_ =	task.clear_ibuf [dreg:s9], $0x7FFFF;
	_ =	strace $0x90000046  }
0xba: {  	s29 =	simm.s32 $0x9;
	_ =	strace $0x80000048  }
0xbb: {  	_ =	swait.ge [sflag:s29], $0x1  }
0xbc: {  	[sflag:s29] =	ssyncadd.s32 $0xFFFFFFFF  }
0xbd: {  	_ =	strace $0x90000048  }
0xbe: {  	_ =	sfence  }
0xbf: {  	s30 =	sld [smem:$0x0];
	_ =	sdelay $0x2  }
0xc0: {  	s31 =	sshll.u32 s1, $0xD;
	s1 =	sshrl.u32 s1, $0x2  }
0xc1: {  	s3 =	sand.u32 $0x4000, s31;
	s1 =	sadd.s32 s1, s30  }
0xc2: {  	s0 =	sor.u32 s3, s0;
	s1 =	sshll.u32 s1, $0x11  }
0xc3: {  	s0 =	sor.u32 s1, s0  }
0xc4: {  	s0 =	sadd.s32 $0x8F2B, s0  }
0xc5: {  	[sflag:s0] =	ssyncadd.remote.s32 $0x1  }
0xc6: {  	_ =	sfence.sel $0xFFFF  }
0xc7: {  	[dreg:$0x0] =	wrdreg $0xFFFFFFFF;
	(pc) =	sbr.abs _section_cstart, $3  }
0xc8: {  	[dreg:$0x1] =	wrdreg $0xFFFFFFFF  }
0xc9: {  	_ =	task.clear_ibuf [dreg:s9], $0x2FFFF;
	_ =	strace $0x9FFFFFFF  }
0xca: {  	(tm) =	ssettm $0x7FFFFFFF  }
0xcb: {  	_ =	shalt  }
tec
execute0_lowered:
.L_overlay_start_1:
0x0: {  	(tag) =	ssettag $0x1  }
0x1: {  	s0 =	rddreg [dreg:$0x0]  }
0x2: {  	s1 =	rddreg [dreg:$0x1];
	s2 =	srdreg.scid  }
0x3: {  	s5 =	rddreg [dreg:$0x2];
	s3 =	stileid.u32  }
0x4: {  	s14 =	rddreg [dreg:$0x3];
	s20 =	simm.s32 $0x2;
	s21 =	simm.s32 $0x200  }
0x5: {  	s22 =	simm.s32 $0x1;
	s24 =	simm.s32 $0x8200;
	s25 =	simm.s32 $0xC200  }
0x6: {  	s28 =	simm.s32 $0x0;
	s6 =	sand.u32 $0x1, s2;
	s3 =	sshll.u32 s3, $0xA  }
0x7: {  	s2 =	simm.s32 $0x0;
	s31 =	sadd.s32 $0x1318600, s0;
	s4 =	sshll.u32 s6, $0x9  }
0x8: {  	[smem:$0x7FF] =	sst s2;
	s8 =	ssub.s32 $0x2, s6;
	s6 =	sadd.s32 $0xF47C00, s0  }
0x9: {  	s7 =	sor.u32 s4, s3;
	_ =	strace $0x80000047;
	s3 =	sadd.s32 $0x1AB9A00, s0  }
0xa: {  	s4 =	sadd.s32 $0x16E9000, s0;
	[dreg:$0x5] =	wrdreg s31;
	s9 =	sshrl.u32 s8, $0x1  }
0xb: {  	s15 =	sshrl.u32 s7, $0x3;
	s7 =	sshll.u32 s7, $0x2;
	s19 =	ssub.s32 s8, s9  }
0xc: {  	s17 =	sadd.s32 s15, s0;
	s0 =	sadd.s32 s7, s0;
	s9 =	sadd.s32 s1, s15  }
0xd: {  	s10 =	sadd.s32 s5, s15;
	s14 =	sadd.s32 s14, s15;
	s19 =	smax.u32 s19, $0x1  }
0xe: {  	s7 =	sadd.s32 $0x4000, s17;
	s8 =	sadd.s32 $0x3800, s17;
	s11 =	sadd.s32 $0x3000, s17  }
0xf: {  	v0 =	vlaneseq.u32;
	s12 =	sadd.s32 $0x2800, s17;
	s13 =	sadd.s32 $0x2000, s17;
	s15 =	sadd.s32 $0x5000, s17  }
0x10: {  	v0 =	vmul.u32 $0x10, v0;
	s16 =	sadd.s32 $0x15800, s0;
	s17 =	sadd.s32 $0x4800, s17;
	s18 =	sadd.s32 $0x5800, s0  }
.LBB2_1:
0x11: {  	[tilespmem:s2], [sflag:$0x2] =	stream.linear.gather [hbm4b:s7+s2], $0x200, $0x38;
	[tilespmem:$0xE400] =	vst v63  }
0x12: {  	_ =	swait.ge [sflag:s20], $0x200  }
0x13: {  	[sflag:s20] =	ssyncset.done $0x0  }
0x14: {  	[sflag:s20] =	ssyncadd.s32 $0xFFFFFE00  }
0x15: {  	[tilespmem:s21], [sflag:$0x1] =	stream.indirect.gather [hbm4b:s3+s21], $0x20, s2, s21, $0xb8;
	[tilespmem:$0xE400] =	vst v63  }
0x16: {  	_ =	swait.ge [sflag:s22], $0x4000  }
0x17: {  	[sflag:s22] =	ssyncset.done $0x0  }
0x18: {  	[sflag:s22] =	ssyncadd.s32 $0xFFFFC000  }
0x19: {  	[tilespmem:s2], [sflag:$0x2] =	stream.linear.gather [hbm4b:s8+s2], $0x200, $0x38;
	[tilespmem:$0xE400] =	vst v63  }
0x1a: {  	_ =	swait.ge [sflag:s20], $0x200  }
0x1b: {  	[sflag:s20] =	ssyncset.done $0x0  }
0x1c: {  	s1 =	simm.s32 $0x4200;
	s0 =	rddreg [dreg:$0x5];
	[sflag:s20] =	ssyncadd.s32 $0xFFFFFE00  }
0x1d: {  	[tilespmem:s1], [sflag:$0x1] =	stream.indirect.gather [hbm4b:s0+s21], $0x20, s2, s21, $0xb8;
	[tilespmem:$0xE400] =	vst v63  }
0x1e: {  	_ =	swait.ge [sflag:s22], $0x4000  }
0x1f: {  	[sflag:s22] =	ssyncset.done $0x0  }
0x20: {  	[sflag:s22] =	ssyncadd.s32 $0xFFFFC000  }
0x21: {  	[tilespmem:s2], [sflag:$0x2] =	stream.linear.gather [hbm4b:s9+s2], $0x200, $0x38;
	[tilespmem:$0xE400] =	vst v63  }
0x22: {  	_ =	swait.ge [sflag:s20], $0x200  }
0x23: {  	[sflag:s20] =	ssyncset.done $0x0  }
0x24: {  	[sflag:s20] =	ssyncadd.s32 $0xFFFFFE00  }
0x25: {  	[tilespmem:s24], [sflag:$0x1] =	stream.indirect.gather [hbm4b:s3+s21], $0x20, s2, s21, $0xb8;
	[tilespmem:$0xE400] =	vst v63  }
0x26: {  	_ =	swait.ge [sflag:s22], $0x4000  }
0x27: {  	[sflag:s22] =	ssyncset.done $0x0  }
0x28: {  	s29 =	simm.s32 $0x300;
	[sflag:s22] =	ssyncadd.s32 $0xFFFFC000  }
0x29: {  	s23 =	simm.s32 $0x4300;
	v1 =	vld [tilespmem:s29+$0xFFFFFF00]  }
0x2a: {  	v2 =	vld [tilespmem:s23+$0xFFFFFF10]  }
0x2b: {  	v3 =	vld [tilespmem:s29+$0xFFFFFF10]  }
0x2c: {  	s26 =	simm.s32 $0x8300;
	v4 =	vld [tilespmem:s23+$0xFFFFFF00]  }
0x2d: {  	v5 =	vld [tilespmem:s26+$0xFFFFFF10]  }
0x2e: {  	v6 =	vld [tilespmem:s26+$0xFFFFFF00];
	_ =	sdelay $0x2  }
0x2f: {  	v2 =	vmul.f32 v2, v3;
	v1 =	vmul.f32 v4, v1;
	_ =	sdelay $0x1  }
0x30: {  	v1 =	vmul.f32 v6, v1;
	v2 =	vmul.f32 v5, v2;
	_ =	sdelay $0x1  }
0x31: {  	v1 =	vadd.f32 v2, v1  }
0x32: {  	s30 =	simm.s32 $0xC280  }
0x33: {  	[tilespmem:s30+$0xFFFFFF80] =	vst v1  }
0x34: {  	v1 =	vld [tilespmem:s23+$0xFFFFFF30]  }
0x35: {  	v2 =	vld [tilespmem:s29+$0xFFFFFF20]  }
0x36: {  	v3 =	vld [tilespmem:s29+$0xFFFFFF30]  }
0x37: {  	v4 =	vld [tilespmem:s23+$0xFFFFFF20]  }
0x38: {  	v5 =	vld [tilespmem:s26+$0xFFFFFF30]  }
0x39: {  	v6 =	vld [tilespmem:s26+$0xFFFFFF20];
	_ =	sdelay $0x2  }
0x3a: {  	v1 =	vmul.f32 v1, v3;
	v2 =	vmul.f32 v4, v2;
	_ =	sdelay $0x1  }
0x3b: {  	v1 =	vmul.f32 v5, v1;
	v2 =	vmul.f32 v6, v2;
	_ =	sdelay $0x1  }
0x3c: {  	v1 =	vadd.f32 v1, v2;
	_ =	sdelay $0x1  }
0x3d: {  	[tilespmem:s30+$0xFFFFFF90] =	vst v1  }
0x3e: {  	v1 =	vld [tilespmem:s23+$0xFFFFFF50]  }
0x3f: {  	v2 =	vld [tilespmem:s23+$0xFFFFFF40]  }
0x40: {  	v3 =	vld [tilespmem:s29+$0xFFFFFF40]  }
0x41: {  	v4 =	vld [tilespmem:s29+$0xFFFFFF50]  }
0x42: {  	v5 =	vld [tilespmem:s26+$0xFFFFFF50]  }
0x43: {  	v6 =	vld [tilespmem:s26+$0xFFFFFF40];
	_ =	sdelay $0x2  }
0x44: {  	v2 =	vmul.f32 v2, v3;
	v1 =	vmul.f32 v1, v4;
	_ =	sdelay $0x1  }
0x45: {  	v2 =	vmul.f32 v6, v2;
	v1 =	vmul.f32 v5, v1;
	_ =	sdelay $0x1  }
0x46: {  	v1 =	vadd.f32 v1, v2;
	_ =	sdelay $0x1  }
0x47: {  	[tilespmem:s30+$0xFFFFFFA0] =	vst v1  }
0x48: {  	v1 =	vld [tilespmem:s29+$0xFFFFFF70]  }
0x49: {  	v2 =	vld [tilespmem:s23+$0xFFFFFF60]  }
0x4a: {  	v3 =	vld [tilespmem:s29+$0xFFFFFF60]  }
0x4b: {  	v4 =	vld [tilespmem:s23+$0xFFFFFF70]  }
0x4c: {  	v5 =	vld [tilespmem:s26+$0xFFFFFF70]  }
0x4d: {  	v6 =	vld [tilespmem:s26+$0xFFFFFF60];
	_ =	sdelay $0x2  }
0x4e: {  	v2 =	vmul.f32 v2, v3;
	v1 =	vmul.f32 v4, v1;
	_ =	sdelay $0x1  }
0x4f: {  	v2 =	vmul.f32 v6, v2;
	v1 =	vmul.f32 v5, v1;
	_ =	sdelay $0x1  }
0x50: {  	v1 =	vadd.f32 v1, v2;
	_ =	sdelay $0x1  }
0x51: {  	[tilespmem:s30+$0xFFFFFFB0] =	vst v1  }
0x52: {  	v1 =	vld [tilespmem:s29+$0xFFFFFF90]  }
0x53: {  	v2 =	vld [tilespmem:s23+$0xFFFFFF80]  }
0x54: {  	v3 =	vld [tilespmem:s29+$0xFFFFFF80]  }
0x55: {  	v4 =	vld [tilespmem:s23+$0xFFFFFF90]  }
0x56: {  	v5 =	vld [tilespmem:s26+$0xFFFFFF80]  }
0x57: {  	v6 =	vld [tilespmem:s26+$0xFFFFFF90];
	_ =	sdelay $0x2  }
0x58: {  	v2 =	vmul.f32 v2, v3;
	v1 =	vmul.f32 v4, v1;
	_ =	sdelay $0x1  }
0x59: {  	v2 =	vmul.f32 v5, v2;
	v1 =	vmul.f32 v6, v1;
	_ =	sdelay $0x1  }
0x5a: {  	v1 =	vadd.f32 v1, v2;
	_ =	sdelay $0x1  }
0x5b: {  	[tilespmem:s30+$0xFFFFFFC0] =	vst v1  }
0x5c: {  	v1 =	vld [tilespmem:s29+$0xFFFFFFB0]  }
0x5d: {  	v2 =	vld [tilespmem:s23+$0xFFFFFFA0]  }
0x5e: {  	v3 =	vld [tilespmem:s29+$0xFFFFFFA0]  }
0x5f: {  	v4 =	vld [tilespmem:s23+$0xFFFFFFB0]  }
0x60: {  	v5 =	vld [tilespmem:s26+$0xFFFFFFA0]  }
0x61: {  	v6 =	vld [tilespmem:s26+$0xFFFFFFB0];
	_ =	sdelay $0x2  }
0x62: {  	v2 =	vmul.f32 v2, v3;
	v1 =	vmul.f32 v4, v1;
	_ =	sdelay $0x1  }
0x63: {  	v2 =	vmul.f32 v5, v2;
	v1 =	vmul.f32 v6, v1;
	_ =	sdelay $0x1  }
0x64: {  	v1 =	vadd.f32 v1, v2;
	_ =	sdelay $0x1  }
0x65: {  	[tilespmem:s30+$0xFFFFFFD0] =	vst v1  }
0x66: {  	v1 =	vld [tilespmem:s23+$0xFFFFFFD0]  }
0x67: {  	v2 =	vld [tilespmem:s23+$0xFFFFFFC0]  }
0x68: {  	v3 =	vld [tilespmem:s29+$0xFFFFFFC0]  }
0x69: {  	v4 =	vld [tilespmem:s29+$0xFFFFFFD0]  }
0x6a: {  	v5 =	vld [tilespmem:s26+$0xFFFFFFC0]  }
0x6b: {  	v6 =	vld [tilespmem:s26+$0xFFFFFFD0];
	_ =	sdelay $0x2  }
0x6c: {  	v2 =	vmul.f32 v2, v3;
	v1 =	vmul.f32 v1, v4;
	_ =	sdelay $0x1  }
0x6d: {  	v2 =	vmul.f32 v5, v2;
	v1 =	vmul.f32 v6, v1;
	_ =	sdelay $0x1  }
0x6e: {  	v1 =	vadd.f32 v1, v2;
	_ =	sdelay $0x1  }
0x6f: {  	[tilespmem:s30+$0xFFFFFFE0] =	vst v1  }
0x70: {  	v1 =	vld [tilespmem:s29+$0xFFFFFFE0]  }
0x71: {  	v2 =	vld [tilespmem:s23+$0xFFFFFFE0]  }
0x72: {  	v3 =	vld [tilespmem:s29+$0xFFFFFFF0]  }
0x73: {  	v4 =	vld [tilespmem:s23+$0xFFFFFFF0]  }
0x74: {  	v5 =	vld [tilespmem:s26+$0xFFFFFFE0]  }
0x75: {  	v6 =	vld [tilespmem:s26+$0xFFFFFFF0];
	_ =	sdelay $0x2  }
0x76: {  	v1 =	vmul.f32 v2, v1;
	v2 =	vmul.f32 v4, v3;
	_ =	sdelay $0x1  }
0x77: {  	v1 =	vmul.f32 v5, v1;
	v2 =	vmul.f32 v6, v2;
	_ =	sdelay $0x1  }
0x78: {  	v1 =	vadd.f32 v2, v1;
	_ =	sdelay $0x1  }
0x79: {  	[tilespmem:s30+$0xFFFFFFF0] =	vst v1  }
0x7a: {  	v1 =	vld [tilespmem:s29+$0x10]  }
0x7b: {  	v2 =	vld [tilespmem:s23+$0x0]  }
0x7c: {  	v3 =	vld [tilespmem:s29+$0x0]  }
0x7d: {  	v4 =	vld [tilespmem:s23+$0x10]  }
0x7e: {  	v5 =	vld [tilespmem:s26+$0x0]  }
0x7f: {  	v6 =	vld [tilespmem:s26+$0x10];
	_ =	sdelay $0x2  }
0x80: {  	v2 =	vmul.f32 v2, v3;
	v1 =	vmul.f32 v4, v1;
	_ =	sdelay $0x1  }
0x81: {  	v2 =	vmul.f32 v5, v2;
	v1 =	vmul.f32 v6, v1;
	_ =	sdelay $0x1  }
0x82: {  	v1 =	vadd.f32 v1, v2;
	_ =	sdelay $0x1  }
0x83: {  	[tilespmem:s30+$0x0] =	vst v1  }
0x84: {  	v1 =	vld [tilespmem:s29+$0x30]  }
0x85: {  	v2 =	vld [tilespmem:s23+$0x20]  }
0x86: {  	v3 =	vld [tilespmem:s29+$0x20]  }
0x87: {  	v4 =	vld [tilespmem:s23+$0x30]  }
0x88: {  	v5 =	vld [tilespmem:s26+$0x20]  }
0x89: {  	v6 =	vld [tilespmem:s26+$0x30];
	_ =	sdelay $0x2  }
0x8a: {  	v2 =	vmul.f32 v2, v3;
	v1 =	vmul.f32 v4, v1;
	_ =	sdelay $0x1  }
0x8b: {  	v2 =	vmul.f32 v5, v2;
	v1 =	vmul.f32 v6, v1;
	_ =	sdelay $0x1  }
0x8c: {  	v1 =	vadd.f32 v1, v2;
	_ =	sdelay $0x1  }
0x8d: {  	[tilespmem:s30+$0x10] =	vst v1  }
0x8e: {  	v1 =	vld [tilespmem:s23+$0x50]  }
0x8f: {  	v2 =	vld [tilespmem:s29+$0x40]  }
0x90: {  	v3 =	vld [tilespmem:s23+$0x40]  }
0x91: {  	v4 =	vld [tilespmem:s29+$0x50]  }
0x92: {  	v5 =	vld [tilespmem:s26+$0x40]  }
0x93: {  	v6 =	vld [tilespmem:s26+$0x50];
	_ =	sdelay $0x2  }
0x94: {  	v2 =	vmul.f32 v3, v2;
	v1 =	vmul.f32 v1, v4;
	_ =	sdelay $0x1  }
0x95: {  	v2 =	vmul.f32 v5, v2;
	v1 =	vmul.f32 v6, v1;
	_ =	sdelay $0x1  }
0x96: {  	v1 =	vadd.f32 v1, v2;
	_ =	sdelay $0x1  }
0x97: {  	[tilespmem:s30+$0x20] =	vst v1  }
0x98: {  	v1 =	vld [tilespmem:s23+$0x60]  }
0x99: {  	v2 =	vld [tilespmem:s23+$0x70]  }
0x9a: {  	v3 =	vld [tilespmem:s29+$0x70]  }
0x9b: {  	v4 =	vld [tilespmem:s29+$0x60]  }
0x9c: {  	v5 =	vld [tilespmem:s26+$0x70]  }
0x9d: {  	v6 =	vld [tilespmem:s26+$0x60];
	_ =	sdelay $0x2  }
0x9e: {  	v2 =	vmul.f32 v2, v3;
	v1 =	vmul.f32 v1, v4;
	_ =	sdelay $0x1  }
0x9f: {  	v2 =	vmul.f32 v5, v2;
	v1 =	vmul.f32 v6, v1;
	_ =	sdelay $0x1  }
0xa0: {  	v1 =	vadd.f32 v2, v1;
	_ =	sdelay $0x1  }
0xa1: {  	[tilespmem:s30+$0x30] =	vst v1  }
0xa2: {  	v1 =	vld [tilespmem:s23+$0x90]  }
0xa3: {  	v2 =	vld [tilespmem:s23+$0x80]  }
0xa4: {  	v3 =	vld [tilespmem:s29+$0x90]  }
0xa5: {  	v4 =	vld [tilespmem:s29+$0x80]  }
0xa6: {  	v5 =	vld [tilespmem:s26+$0x90]  }
0xa7: {  	v6 =	vld [tilespmem:s26+$0x80];
	_ =	sdelay $0x2  }
0xa8: {  	v1 =	vmul.f32 v1, v3;
	v2 =	vmul.f32 v2, v4;
	_ =	sdelay $0x1  }
0xa9: {  	v1 =	vmul.f32 v5, v1;
	v2 =	vmul.f32 v6, v2;
	_ =	sdelay $0x1  }
0xaa: {  	v1 =	vadd.f32 v1, v2;
	_ =	sdelay $0x1  }
0xab: {  	[tilespmem:s30+$0x40] =	vst v1  }
0xac: {  	v1 =	vld [tilespmem:s23+$0xB0]  }
0xad: {  	v2 =	vld [tilespmem:s23+$0xA0]  }
0xae: {  	v3 =	vld [tilespmem:s29+$0xA0]  }
0xaf: {  	v4 =	vld [tilespmem:s29+$0xB0]  }
0xb0: {  	v5 =	vld [tilespmem:s26+$0xA0]  }
0xb1: {  	v6 =	vld [tilespmem:s26+$0xB0];
	_ =	sdelay $0x2  }
0xb2: {  	v2 =	vmul.f32 v2, v3;
	v1 =	vmul.f32 v1, v4;
	_ =	sdelay $0x1  }
0xb3: {  	v2 =	vmul.f32 v5, v2;
	v1 =	vmul.f32 v6, v1;
	_ =	sdelay $0x1  }
0xb4: {  	v1 =	vadd.f32 v1, v2;
	_ =	sdelay $0x1  }
0xb5: {  	[tilespmem:s30+$0x50] =	vst v1  }
0xb6: {  	v1 =	vld [tilespmem:s23+$0xC0]  }
0xb7: {  	v2 =	vld [tilespmem:s29+$0xD0]  }
0xb8: {  	v3 =	vld [tilespmem:s29+$0xC0]  }
0xb9: {  	v4 =	vld [tilespmem:s23+$0xD0]  }
0xba: {  	v5 =	vld [tilespmem:s26+$0xC0]  }
0xbb: {  	v6 =	vld [tilespmem:s26+$0xD0];
	_ =	sdelay $0x2  }
0xbc: {  	v1 =	vmul.f32 v1, v3;
	v2 =	vmul.f32 v4, v2;
	_ =	sdelay $0x1  }
0xbd: {  	v1 =	vmul.f32 v5, v1;
	v2 =	vmul.f32 v6, v2;
	_ =	sdelay $0x1  }
0xbe: {  	v1 =	vadd.f32 v2, v1;
	_ =	sdelay $0x1  }
0xbf: {  	[tilespmem:s30+$0x60] =	vst v1  }
0xc0: {  	v1 =	vld [tilespmem:s29+$0xE0]  }
0xc1: {  	v2 =	vld [tilespmem:s23+$0xF0]  }
0xc2: {  	v3 =	vld [tilespmem:s23+$0xE0]  }
0xc3: {  	v4 =	vld [tilespmem:s29+$0xF0]  }
0xc4: {  	v5 =	vld [tilespmem:s26+$0xE0]  }
0xc5: {  	v6 =	vld [tilespmem:s26+$0xF0];
	_ =	sdelay $0x2  }
0xc6: {  	v1 =	vmul.f32 v3, v1;
	v3 =	vmov s2;
	v2 =	vmul.f32 v2, v4  }
0xc7: {  	v3 =	vshll.u32 v3, $0x4  }
0xc8: {  	v1 =	vmul.f32 v5, v1;
	v5 =	vor.u32 v0, v3;
	v2 =	vmul.f32 v6, v2;
	_ =	sdelay $0x1  }
0xc9: {  	v3 =	vor.u32 $0x1, v5;
	v1 =	vadd.f32 v2, v1;
	_ =	sdelay $0x1  }
0xca: {  	v2 =	vor.u32 $0x2, v5;
	[tilespmem:s30+$0x70] =	vst v1  }
0xcb: {  	v1 =	vor.u32 $0x3, v5;
	v4 =	vld.idx.msk [tilespmem:v5+s25+$0x0], $0xffff  }
0xcc: {  	v8 =	vor.u32 $0x6, v5  }
0xcd: {  	v6 =	vor.u32 $0x4, v5;
	v3 =	vld.idx.msk [tilespmem:v3+s25+$0x0], $0xffff  }
0xce: {  	v7 =	vor.u32 $0x5, v5  }
0xcf: {  	v9 =	vor.u32 $0x7, v5;
	v2 =	vld.idx.msk [tilespmem:v2+s25+$0x0], $0xffff  }
0xd0: {  	v11 =	vor.u32 $0x8, v5;
	v10 =	vld.idx.msk [tilespmem:v1+s25+$0x0], $0xffff;
	v1 =	vadd.f32 $0.0e+00, v4  }
0xd1: {  	v13 =	vld.idx.msk [tilespmem:v8+s25+$0x0], $0xffff;
	v8 =	vor.u32 $0xB, v5  }
0xd2: {  	v6 =	vld.idx.msk [tilespmem:v6+s25+$0x0], $0xffff;
	v4 =	vor.u32 $0x9, v5;
	v3 =	vadd.f32 v3, v1  }
0xd3: {  	v12 =	vld.idx.msk [tilespmem:v7+s25+$0x0], $0xffff;
	v7 =	vor.u32 $0xA, v5  }
0xd4: {  	v1 =	vld.idx.msk [tilespmem:v9+s25+$0x0], $0xffff;
	v9 =	vor.u32 $0xC, v5;
	v14 =	vadd.f32 v2, v3  }
0xd5: {  	v63 =	vor.u32 $0xF, v5;
	v2 =	vld.idx.msk [tilespmem:v11+s25+$0x0], $0xffff  }
0xd6: {  	v15 =	vor.u32 $0xE, v5;
	v11 =	vor.u32 $0xD, v5;
	v5 =	vld.idx.msk [tilespmem:v8+s25+$0x0], $0xffff;
	v10 =	vadd.f32 v10, v14  }
0xd7: {  	v3 =	vld.idx.msk [tilespmem:v4+s25+$0x0], $0xffff  }
0xd8: {  	v4 =	vld.idx.msk [tilespmem:v7+s25+$0x0], $0xffff;
	v8 =	vadd.f32 v6, v10  }
0xd9: {  	v7 =	vld.idx.msk [tilespmem:v9+s25+$0x0], $0xffff  }
0xda: {  	v9 =	vld.idx.msk [tilespmem:v63+s25+$0x0], $0xffff;
	v10 =	vadd.f32 v12, v8  }
0xdb: {  	s31 =	simm.s32 $0xE200;
	s1 =	simm.s32 $0x10;
	v6 =	vld.idx.msk [tilespmem:v11+s25+$0x0], $0xffff  }
0xdc: {  	s0 =	simm.s32 $0x8500;
	s26 =	simm.s32 $0x4500;
	s23 =	simm.s32 $0xE200;
	v8 =	vld.idx.msk [tilespmem:v15+s25+$0x0], $0xffff;
	v10 =	vadd.f32 v13, v10  }
.LBB2_2:
0xdd: {  	s30 =	sadd.s32 $0x100, s30;
	s23 =	sadd.s32 $0x10, s23;
	s29 =	sadd.s32 $0x200, s29  }
0xde: {  	p0 =	sne.s32 s1, $0x1F0;
	s5 =	smov.u32 s1;
	s1 =	sadd.s32 $0x10, s1;
	v1 =	vadd.f32 v1, v10  }
0xdf: {  	_ = 	snop  }
0xe0: {  	v1 =	vadd.f32 v2, v1;
	_ =	sdelay $0x1  }
0xe1: {  	v1 =	vadd.f32 v3, v1;
	_ =	sdelay $0x1  }
0xe2: {  	v1 =	vadd.f32 v4, v1;
	_ =	sdelay $0x1  }
0xe3: {  	v1 =	vadd.f32 v5, v1;
	_ =	sdelay $0x1  }
0xe4: {  	v1 =	vadd.f32 v7, v1;
	_ =	sdelay $0x1  }
0xe5: {  	v1 =	vadd.f32 v6, v1;
	_ =	sdelay $0x1  }
0xe6: {  	v1 =	vadd.f32 v8, v1;
	_ =	sdelay $0x1  }
0xe7: {  	v1 =	vadd.f32 v9, v1;
	_ =	sdelay $0x1  }
0xe8: {  	v1 =	vsub.f32 $0.0e+00, v1;
	_ =	sdelay $0x1  }
0xe9: {  	v1 =	vmul.f32 $1.442695020e+00, v1;
	_ =	sdelay $0x1  }
0xea: {  	(erf) = vpow2.f32 v1;
	_ =	sdelay $0x8  }
0xeb: {  	v1 =	vpop (erf)  }
0xec: {  	v1 =	vadd.f32 $1.000000000e+00, v1;
	_ =	sdelay $0x1  }
0xed: {  	(erf) = vrcp.f32 v1;
	_ =	sdelay $0x8  }
0xee: {  	v1 =	vpop (erf)  }
0xef: {  	[tilespmem:s31+$0x0] =	vst v1;
	s31 =	smov.u32 s23  }
0xf0: {  	v1 =	vld [tilespmem:s29+$0xFFFFFF00]  }
0xf1: {  	v2 =	vld [tilespmem:s26+$0xFFFFFF10]  }
0xf2: {  	v3 =	vld [tilespmem:s29+$0xFFFFFF10]  }
0xf3: {  	v4 =	vld [tilespmem:s26+$0xFFFFFF00]  }
0xf4: {  	v5 =	vld [tilespmem:s0+$0xFFFFFF10]  }
0xf5: {  	v6 =	vld [tilespmem:s0+$0xFFFFFF00];
	_ =	sdelay $0x1  }
0xf6: {  	v2 =	vmul.f32 v2, v3  }
0xf7: {  	v1 =	vmul.f32 v4, v1;
	_ =	sdelay $0x1  }
0xf8: {  	v2 =	vmul.f32 v5, v2;
	v1 =	vmul.f32 v6, v1;
	_ =	sdelay $0x1  }
0xf9: {  	v1 =	vadd.f32 v2, v1;
	_ =	sdelay $0x1  }
0xfa: {  	[tilespmem:s30+$0xFFFFFF80] =	vst v1  }
0xfb: {  	v1 =	vld [tilespmem:s26+$0xFFFFFF30]  }
0xfc: {  	v2 =	vld [tilespmem:s29+$0xFFFFFF20]  }
0xfd: {  	v3 =	vld [tilespmem:s29+$0xFFFFFF30]  }
0xfe: {  	v4 =	vld [tilespmem:s26+$0xFFFFFF20]  }
0xff: {  	v5 =	vld [tilespmem:s0+$0xFFFFFF30]  }
0x100: {  	v6 =	vld [tilespmem:s0+$0xFFFFFF20];
	_ =	sdelay $0x1  }
0x101: {  	v1 =	vmul.f32 v1, v3  }
0x102: {  	v2 =	vmul.f32 v4, v2  }
0x103: {  	v1 =	vmul.f32 v5, v1  }
0x104: {  	v2 =	vmul.f32 v6, v2;
	_ =	sdelay $0x1  }
0x105: {  	v1 =	vadd.f32 v1, v2;
	_ =	sdelay $0x1  }
0x106: {  	[tilespmem:s30+$0xFFFFFF90] =	vst v1  }
0x107: {  	v1 =	vld [tilespmem:s26+$0xFFFFFF50]  }
0x108: {  	v2 =	vld [tilespmem:s26+$0xFFFFFF40]  }
0x109: {  	v3 =	vld [tilespmem:s29+$0xFFFFFF40]  }
0x10a: {  	v4 =	vld [tilespmem:s29+$0xFFFFFF50]  }
0x10b: {  	v5 =	vld [tilespmem:s0+$0xFFFFFF50]  }
0x10c: {  	v6 =	vld [tilespmem:s0+$0xFFFFFF40];
	_ =	sdelay $0x1  }
0x10d: {  	v2 =	vmul.f32 v2, v3  }
0x10e: {  	v1 =	vmul.f32 v1, v4;
	_ =	sdelay $0x1  }
0x10f: {  	v2 =	vmul.f32 v6, v2;
	v1 =	vmul.f32 v5, v1;
	_ =	sdelay $0x1  }
0x110: {  	v1 =	vadd.f32 v1, v2;
	_ =	sdelay $0x1  }
0x111: {  	[tilespmem:s30+$0xFFFFFFA0] =	vst v1  }
0x112: {  	v1 =	vld [tilespmem:s29+$0xFFFFFF70]  }
0x113: {  	v2 =	vld [tilespmem:s26+$0xFFFFFF60]  }
0x114: {  	v3 =	vld [tilespmem:s29+$0xFFFFFF60]  }
0x115: {  	v4 =	vld [tilespmem:s26+$0xFFFFFF70]  }
0x116: {  	v5 =	vld [tilespmem:s0+$0xFFFFFF70]  }
0x117: {  	v6 =	vld [tilespmem:s0+$0xFFFFFF60];
	_ =	sdelay $0x1  }
0x118: {  	v2 =	vmul.f32 v2, v3  }
0x119: {  	v1 =	vmul.f32 v4, v1;
	_ =	sdelay $0x1  }
0x11a: {  	v2 =	vmul.f32 v6, v2;
	v1 =	vmul.f32 v5, v1;
	_ =	sdelay $0x1  }
0x11b: {  	v1 =	vadd.f32 v1, v2;
	_ =	sdelay $0x1  }
0x11c: {  	[tilespmem:s30+$0xFFFFFFB0] =	vst v1  }
0x11d: {  	v1 =	vld [tilespmem:s29+$0xFFFFFF90]  }
0x11e: {  	v2 =	vld [tilespmem:s26+$0xFFFFFF80]  }
0x11f: {  	v3 =	vld [tilespmem:s29+$0xFFFFFF80]  }
0x120: {  	v4 =	vld [tilespmem:s26+$0xFFFFFF90]  }
0x121: {  	v5 =	vld [tilespmem:s0+$0xFFFFFF80]  }
0x122: {  	v6 =	vld [tilespmem:s0+$0xFFFFFF90];
	_ =	sdelay $0x1  }
0x123: {  	v2 =	vmul.f32 v2, v3  }
0x124: {  	v1 =	vmul.f32 v4, v1;
	_ =	sdelay $0x1  }
0x125: {  	v2 =	vmul.f32 v5, v2;
	v1 =	vmul.f32 v6, v1;
	_ =	sdelay $0x1  }
0x126: {  	v1 =	vadd.f32 v1, v2;
	_ =	sdelay $0x1  }
0x127: {  	[tilespmem:s30+$0xFFFFFFC0] =	vst v1  }
0x128: {  	v1 =	vld [tilespmem:s29+$0xFFFFFFB0]  }
0x129: {  	v2 =	vld [tilespmem:s26+$0xFFFFFFA0]  }
0x12a: {  	v3 =	vld [tilespmem:s29+$0xFFFFFFA0]  }
0x12b: {  	v4 =	vld [tilespmem:s26+$0xFFFFFFB0]  }
0x12c: {  	v5 =	vld [tilespmem:s0+$0xFFFFFFA0]  }
0x12d: {  	v6 =	vld [tilespmem:s0+$0xFFFFFFB0];
	_ =	sdelay $0x1  }
0x12e: {  	v2 =	vmul.f32 v2, v3  }
0x12f: {  	v1 =	vmul.f32 v4, v1;
	_ =	sdelay $0x1  }
0x130: {  	v2 =	vmul.f32 v5, v2;
	v1 =	vmul.f32 v6, v1;
	_ =	sdelay $0x1  }
0x131: {  	v1 =	vadd.f32 v1, v2;
	_ =	sdelay $0x1  }
0x132: {  	[tilespmem:s30+$0xFFFFFFD0] =	vst v1  }
0x133: {  	v1 =	vld [tilespmem:s26+$0xFFFFFFD0]  }
0x134: {  	v2 =	vld [tilespmem:s26+$0xFFFFFFC0]  }
0x135: {  	v3 =	vld [tilespmem:s29+$0xFFFFFFC0]  }
0x136: {  	v4 =	vld [tilespmem:s29+$0xFFFFFFD0]  }
0x137: {  	v5 =	vld [tilespmem:s0+$0xFFFFFFC0]  }
0x138: {  	v6 =	vld [tilespmem:s0+$0xFFFFFFD0];
	_ =	sdelay $0x1  }
0x139: {  	v2 =	vmul.f32 v2, v3  }
0x13a: {  	v1 =	vmul.f32 v1, v4;
	_ =	sdelay $0x1  }
0x13b: {  	v2 =	vmul.f32 v5, v2;
	v1 =	vmul.f32 v6, v1;
	_ =	sdelay $0x1  }
0x13c: {  	v1 =	vadd.f32 v1, v2;
	_ =	sdelay $0x1  }
0x13d: {  	[tilespmem:s30+$0xFFFFFFE0] =	vst v1  }
0x13e: {  	v1 =	vld [tilespmem:s29+$0xFFFFFFE0]  }
0x13f: {  	v2 =	vld [tilespmem:s26+$0xFFFFFFE0]  }
0x140: {  	v3 =	vld [tilespmem:s29+$0xFFFFFFF0]  }
0x141: {  	v4 =	vld [tilespmem:s26+$0xFFFFFFF0]  }
0x142: {  	v5 =	vld [tilespmem:s0+$0xFFFFFFE0]  }
0x143: {  	v6 =	vld [tilespmem:s0+$0xFFFFFFF0]  }
0x144: {  	v1 =	vmul.f32 v2, v1;
	_ =	sdelay $0x1  }
0x145: {  	v2 =	vmul.f32 v4, v3  }
0x146: {  	v1 =	vmul.f32 v5, v1  }
0x147: {  	v2 =	vmul.f32 v6, v2;
	_ =	sdelay $0x1  }
0x148: {  	v1 =	vadd.f32 v2, v1;
	_ =	sdelay $0x1  }
0x149: {  	[tilespmem:s30+$0xFFFFFFF0] =	vst v1  }
0x14a: {  	v1 =	vld [tilespmem:s29+$0x10]  }
0x14b: {  	v2 =	vld [tilespmem:s26+$0x0]  }
0x14c: {  	v3 =	vld [tilespmem:s29+$0x0]  }
0x14d: {  	v4 =	vld [tilespmem:s26+$0x10]  }
0x14e: {  	v5 =	vld [tilespmem:s0+$0x0]  }
0x14f: {  	v6 =	vld [tilespmem:s0+$0x10];
	_ =	sdelay $0x1  }
0x150: {  	v2 =	vmul.f32 v2, v3  }
0x151: {  	v1 =	vmul.f32 v4, v1;
	_ =	sdelay $0x1  }
0x152: {  	v2 =	vmul.f32 v5, v2;
	v1 =	vmul.f32 v6, v1;
	_ =	sdelay $0x1  }
0x153: {  	v1 =	vadd.f32 v1, v2;
	_ =	sdelay $0x1  }
0x154: {  	[tilespmem:s30+$0x0] =	vst v1  }
0x155: {  	v1 =	vld [tilespmem:s29+$0x30]  }
0x156: {  	v2 =	vld [tilespmem:s26+$0x20]  }
0x157: {  	v3 =	vld [tilespmem:s29+$0x20]  }
0x158: {  	v4 =	vld [tilespmem:s26+$0x30]  }
0x159: {  	v5 =	vld [tilespmem:s0+$0x20]  }
0x15a: {  	v6 =	vld [tilespmem:s0+$0x30];
	_ =	sdelay $0x1  }
0x15b: {  	v2 =	vmul.f32 v2, v3  }
0x15c: {  	v1 =	vmul.f32 v4, v1;
	_ =	sdelay $0x1  }
0x15d: {  	v2 =	vmul.f32 v5, v2;
	v1 =	vmul.f32 v6, v1;
	_ =	sdelay $0x1  }
0x15e: {  	v1 =	vadd.f32 v1, v2;
	_ =	sdelay $0x1  }
0x15f: {  	[tilespmem:s30+$0x10] =	vst v1  }
0x160: {  	v1 =	vld [tilespmem:s26+$0x50]  }
0x161: {  	v2 =	vld [tilespmem:s29+$0x40]  }
0x162: {  	v3 =	vld [tilespmem:s26+$0x40]  }
0x163: {  	v4 =	vld [tilespmem:s29+$0x50]  }
0x164: {  	v5 =	vld [tilespmem:s0+$0x40]  }
0x165: {  	v6 =	vld [tilespmem:s0+$0x50];
	_ =	sdelay $0x1  }
0x166: {  	v2 =	vmul.f32 v3, v2  }
0x167: {  	v1 =	vmul.f32 v1, v4;
	_ =	sdelay $0x1  }
0x168: {  	v2 =	vmul.f32 v5, v2;
	v1 =	vmul.f32 v6, v1;
	_ =	sdelay $0x1  }
0x169: {  	v1 =	vadd.f32 v1, v2;
	_ =	sdelay $0x1  }
0x16a: {  	[tilespmem:s30+$0x20] =	vst v1  }
0x16b: {  	v1 =	vld [tilespmem:s26+$0x60]  }
0x16c: {  	v2 =	vld [tilespmem:s26+$0x70]  }
0x16d: {  	v3 =	vld [tilespmem:s29+$0x70]  }
0x16e: {  	v4 =	vld [tilespmem:s29+$0x60]  }
0x16f: {  	v5 =	vld [tilespmem:s0+$0x70]  }
0x170: {  	v6 =	vld [tilespmem:s0+$0x60];
	_ =	sdelay $0x1  }
0x171: {  	v2 =	vmul.f32 v2, v3  }
0x172: {  	v1 =	vmul.f32 v1, v4  }
0x173: {  	v2 =	vmul.f32 v5, v2  }
0x174: {  	v1 =	vmul.f32 v6, v1;
	_ =	sdelay $0x1  }
0x175: {  	v1 =	vadd.f32 v2, v1;
	_ =	sdelay $0x1  }
0x176: {  	[tilespmem:s30+$0x30] =	vst v1  }
0x177: {  	v1 =	vld [tilespmem:s26+$0x90]  }
0x178: {  	v2 =	vld [tilespmem:s26+$0x80]  }
0x179: {  	v3 =	vld [tilespmem:s29+$0x90]  }
0x17a: {  	v4 =	vld [tilespmem:s29+$0x80]  }
0x17b: {  	v5 =	vld [tilespmem:s0+$0x90]  }
0x17c: {  	v6 =	vld [tilespmem:s0+$0x80];
	_ =	sdelay $0x1  }
0x17d: {  	v1 =	vmul.f32 v1, v3  }
0x17e: {  	v2 =	vmul.f32 v2, v4  }
0x17f: {  	v1 =	vmul.f32 v5, v1  }
0x180: {  	v2 =	vmul.f32 v6, v2;
	_ =	sdelay $0x1  }
0x181: {  	v1 =	vadd.f32 v1, v2;
	_ =	sdelay $0x1  }
0x182: {  	[tilespmem:s30+$0x40] =	vst v1  }
0x183: {  	v1 =	vld [tilespmem:s26+$0xB0]  }
0x184: {  	v2 =	vld [tilespmem:s26+$0xA0]  }
0x185: {  	v3 =	vld [tilespmem:s29+$0xA0]  }
0x186: {  	v4 =	vld [tilespmem:s29+$0xB0]  }
0x187: {  	v5 =	vld [tilespmem:s0+$0xA0]  }
0x188: {  	v6 =	vld [tilespmem:s0+$0xB0];
	_ =	sdelay $0x1  }
0x189: {  	v2 =	vmul.f32 v2, v3  }
0x18a: {  	v1 =	vmul.f32 v1, v4;
	_ =	sdelay $0x1  }
0x18b: {  	v2 =	vmul.f32 v5, v2;
	v1 =	vmul.f32 v6, v1;
	_ =	sdelay $0x1  }
0x18c: {  	v1 =	vadd.f32 v1, v2;
	_ =	sdelay $0x1  }
0x18d: {  	[tilespmem:s30+$0x50] =	vst v1  }
0x18e: {  	v1 =	vld [tilespmem:s26+$0xC0]  }
0x18f: {  	v2 =	vld [tilespmem:s29+$0xD0]  }
0x190: {  	v3 =	vld [tilespmem:s29+$0xC0]  }
0x191: {  	v4 =	vld [tilespmem:s26+$0xD0]  }
0x192: {  	v5 =	vld [tilespmem:s0+$0xC0]  }
0x193: {  	v6 =	vld [tilespmem:s0+$0xD0];
	_ =	sdelay $0x1  }
0x194: {  	v1 =	vmul.f32 v1, v3  }
0x195: {  	v2 =	vmul.f32 v4, v2;
	_ =	sdelay $0x1  }
0x196: {  	v1 =	vmul.f32 v5, v1;
	v2 =	vmul.f32 v6, v2;
	_ =	sdelay $0x1  }
0x197: {  	v1 =	vadd.f32 v2, v1;
	_ =	sdelay $0x1  }
0x198: {  	[tilespmem:s30+$0x60] =	vst v1  }
0x199: {  	v1 =	vld [tilespmem:s29+$0xE0]  }
0x19a: {  	v2 =	vld [tilespmem:s26+$0xF0]  }
0x19b: {  	v3 =	vld [tilespmem:s26+$0xE0]  }
0x19c: {  	v4 =	vld [tilespmem:s29+$0xF0]  }
0x19d: {  	v5 =	vld [tilespmem:s0+$0xE0]  }
0x19e: {  	v6 =	vld [tilespmem:s0+$0xF0];
	_ =	sdelay $0x1  }
0x19f: {  	v1 =	vmul.f32 v3, v1;
	v3 =	vmov s5  }
0x1a0: {  	v2 =	vmul.f32 v2, v4;
	v3 =	vshll.u32 v3, $0x4  }
0x1a1: {  	v1 =	vmul.f32 v5, v1;
	v5 =	vor.u32 v0, v3  }
0x1a2: {  	v2 =	vmul.f32 v6, v2  }
0x1a3: {  	v3 =	vor.u32 $0x1, v5  }
0x1a4: {  	v1 =	vadd.f32 v2, v1;
	v2 =	vor.u32 $0x2, v5  }
0x1a5: {  	v4 =	vor.u32 $0x3, v5  }
0x1a6: {  	[tilespmem:s30+$0x70] =	vst v1;
	v1 =	vor.u32 $0x4, v5  }
0x1a7: {  	v7 =	vor.u32 $0x5, v5;
	v6 =	vld.idx.msk [tilespmem:v5+s25+$0x0], $0xffff  }
0x1a8: {  	v8 =	vor.u32 $0x6, v5;
	v3 =	vld.idx.msk [tilespmem:v3+s25+$0x0], $0xffff  }
0x1a9: {  	v9 =	vld.idx.msk [tilespmem:v2+s25+$0x0], $0xffff;
	v2 =	vor.u32 $0x7, v5  }
0x1aa: {  	v10 =	vld.idx.msk [tilespmem:v4+s25+$0x0], $0xffff;
	v4 =	vor.u32 $0x8, v5  }
0x1ab: {  	v12 =	vor.u32 $0x9, v5;
	v11 =	vld.idx.msk [tilespmem:v1+s25+$0x0], $0xffff  }
0x1ac: {  	v13 =	vld.idx.msk [tilespmem:v7+s25+$0x0], $0xffff;
	v7 =	vor.u32 $0xA, v5  }
0x1ad: {  	v6 =	vadd.f32 $0.0e+00, v6;
	v14 =	vld.idx.msk [tilespmem:v8+s25+$0x0], $0xffff;
	v8 =	vor.u32 $0xB, v5  }
0x1ae: {  	v15 =	vor.u32 $0xC, v5;
	v1 =	vld.idx.msk [tilespmem:v2+s25+$0x0], $0xffff  }
0x1af: {  	v16 =	vor.u32 $0xD, v5;
	v6 =	vadd.f32 v3, v6;
	v2 =	vld.idx.msk [tilespmem:v4+s25+$0x0], $0xffff  }
0x1b0: {  	v3 =	vld.idx.msk [tilespmem:v12+s25+$0x0], $0xffff;
	v12 =	vor.u32 $0xE, v5  }
0x1b1: {  	v6 =	vadd.f32 v9, v6;
	v9 =	vor.u32 $0xF, v5;
	v4 =	vld.idx.msk [tilespmem:v7+s25+$0x0], $0xffff  }
0x1b2: {  	v5 =	vld.idx.msk [tilespmem:v8+s25+$0x0], $0xffff  }
0x1b3: {  	v8 =	vadd.f32 v10, v6;
	v7 =	vld.idx.msk [tilespmem:v15+s25+$0x0], $0xffff  }
0x1b4: {  	v6 =	vld.idx.msk [tilespmem:v16+s25+$0x0], $0xffff  }
.Ltmp0:
0x1b5: {  	v10 =	vadd.f32 v11, v8;
	v8 =	vld.idx.msk [tilespmem:v12+s25+$0x0], $0xffff;
	(pc) =	sbr.rel @p0 .LBB2_2-.Ltmp0, $3  }
0x1b6: {  	v9 =	vld.idx.msk [tilespmem:v9+s25+$0x0], $0xffff  }
0x1b7: {  	v10 =	vadd.f32 v13, v10;
	_ =	sdelay $0x1  }
0x1b8: {  	s26 =	sadd.s32 $0x200, s26;
	s0 =	sadd.s32 $0x200, s0;
	v10 =	vadd.f32 v14, v10  }
0x1b9: {  	_ = 	snop  }
0x1ba: {  	v1 =	vadd.f32 v1, v10;
	_ =	sdelay $0x1  }
0x1bb: {  	v1 =	vadd.f32 v2, v1;
	_ =	sdelay $0x1  }
0x1bc: {  	v1 =	vadd.f32 v3, v1;
	_ =	sdelay $0x1  }
0x1bd: {  	v1 =	vadd.f32 v4, v1;
	_ =	sdelay $0x1  }
0x1be: {  	v1 =	vadd.f32 v5, v1;
	_ =	sdelay $0x1  }
0x1bf: {  	v1 =	vadd.f32 v7, v1;
	_ =	sdelay $0x1  }
0x1c0: {  	v1 =	vadd.f32 v6, v1;
	_ =	sdelay $0x1  }
0x1c1: {  	v1 =	vadd.f32 v8, v1;
	_ =	sdelay $0x1  }
0x1c2: {  	v1 =	vadd.f32 v9, v1;
	_ =	sdelay $0x1  }
0x1c3: {  	v1 =	vsub.f32 $0.0e+00, v1;
	_ =	sdelay $0x1  }
0x1c4: {  	v1 =	vmul.f32 $1.442695020e+00, v1;
	_ =	sdelay $0x1  }
0x1c5: {  	(erf) = vpow2.f32 v1;
	_ =	sdelay $0x8  }
0x1c6: {  	v1 =	vpop (erf)  }
0x1c7: {  	v1 =	vadd.f32 $1.000000000e+00, v1;
	_ =	sdelay $0x1  }
0x1c8: {  	(erf) = vrcp.f32 v1;
	_ =	sdelay $0x8  }
0x1c9: {  	v1 =	vpop (erf)  }
0x1ca: {  	s0 =	simm.s32 $0x0;
	s29 =	simm.s32 $0xE200;
	[tilespmem:s31+$0x0] =	vst v1  }
0x1cb: {  	[hbm4b:s10+s0] =	stream.linear.scatter [tilespmem:s29], [sflag:$0x2], $0x200, $0x38;
	[tilespmem:$0xE400] =	vst v63  }
0x1cc: {  	_ =	swait.ge [sflag:s20], $0x200  }
0x1cd: {  	[sflag:s20] =	ssyncset.done $0x0  }
0x1ce: {  	[sflag:s20] =	ssyncadd.s32 $0xFFFFFE00  }
0x1cf: {  	[tilespmem:s0], [sflag:$0x2] =	stream.linear.gather [hbm4b:s11+s0], $0x200, $0x38;
	[tilespmem:$0xE400] =	vst v63  }
0x1d0: {  	_ =	swait.ge [sflag:s20], $0x200  }
0x1d1: {  	[sflag:s20] =	ssyncset.done $0x0  }
0x1d2: {  	[sflag:s20] =	ssyncadd.s32 $0xFFFFFE00  }
0x1d3: {  	[tilespmem:s21], [sflag:$0x1] =	stream.indirect.gather [hbm4b:s4+s21], $0x20, s0, s21, $0xb8;
	[tilespmem:$0xE400] =	vst v63  }
0x1d4: {  	_ =	swait.ge [sflag:s22], $0x4000  }
0x1d5: {  	[sflag:s22] =	ssyncset.done $0x0  }
0x1d6: {  	[sflag:s22] =	ssyncadd.s32 $0xFFFFC000  }
0x1d7: {  	[tilespmem:s0], [sflag:$0x2] =	stream.linear.gather [hbm4b:s12+s0], $0x200, $0x38;
	[tilespmem:$0xE400] =	vst v63  }
0x1d8: {  	_ =	swait.ge [sflag:s20], $0x200  }
0x1d9: {  	[sflag:s20] =	ssyncset.done $0x0  }
0x1da: {  	s1 =	simm.s32 $0x4200;
	[sflag:s20] =	ssyncadd.s32 $0xFFFFFE00  }
0x1db: {  	[tilespmem:s1], [sflag:$0x1] =	stream.indirect.gather [hbm4b:s6+s21], $0x20, s0, s21, $0xb8;
	[tilespmem:$0xE400] =	vst v63  }
0x1dc: {  	_ =	swait.ge [sflag:s22], $0x4000  }
0x1dd: {  	[sflag:s22] =	ssyncset.done $0x0  }
0x1de: {  	[sflag:s22] =	ssyncadd.s32 $0xFFFFC000  }
0x1df: {  	[tilespmem:s0], [sflag:$0x2] =	stream.linear.gather [hbm4b:s13+s0], $0x200, $0x38;
	[tilespmem:$0xE400] =	vst v63  }
0x1e0: {  	_ =	swait.ge [sflag:s20], $0x200  }
0x1e1: {  	[sflag:s20] =	ssyncset.done $0x0  }
0x1e2: {  	[sflag:s20] =	ssyncadd.s32 $0xFFFFFE00  }
0x1e3: {  	[tilespmem:s24], [sflag:$0x1] =	stream.indirect.gather [hbm4b:s4+s21], $0x20, s0, s21, $0xb8;
	[tilespmem:$0xE400] =	vst v63  }
0x1e4: {  	_ =	swait.ge [sflag:s22], $0x4000  }
0x1e5: {  	[sflag:s22] =	ssyncset.done $0x0  }
0x1e6: {  	s30 =	simm.s32 $0x300;
	[sflag:s22] =	ssyncadd.s32 $0xFFFFC000  }
0x1e7: {  	s26 =	simm.s32 $0x4300;
	v1 =	vld [tilespmem:s30+$0xFFFFFF00]  }
0x1e8: {  	v2 =	vld [tilespmem:s26+$0xFFFFFF10]  }
0x1e9: {  	v3 =	vld [tilespmem:s30+$0xFFFFFF10]  }
0x1ea: {  	s5 =	simm.s32 $0x8300;
	v4 =	vld [tilespmem:s26+$0xFFFFFF00]  }
0x1eb: {  	v5 =	vld [tilespmem:s5+$0xFFFFFF10]  }
0x1ec: {  	v6 =	vld [tilespmem:s5+$0xFFFFFF00];
	_ =	sdelay $0x2  }
0x1ed: {  	v2 =	vmul.f32 v2, v3;
	v1 =	vmul.f32 v4, v1;
	_ =	sdelay $0x1  }
0x1ee: {  	v1 =	vmul.f32 v6, v1;
	v2 =	vmul.f32 v5, v2;
	_ =	sdelay $0x1  }
0x1ef: {  	v1 =	vadd.f32 v2, v1  }
0x1f0: {  	s31 =	simm.s32 $0xC280  }
0x1f1: {  	[tilespmem:s31+$0xFFFFFF80] =	vst v1  }
0x1f2: {  	v1 =	vld [tilespmem:s26+$0xFFFFFF30]  }
0x1f3: {  	v2 =	vld [tilespmem:s30+$0xFFFFFF20]  }
0x1f4: {  	v3 =	vld [tilespmem:s30+$0xFFFFFF30]  }
0x1f5: {  	v4 =	vld [tilespmem:s26+$0xFFFFFF20]  }
0x1f6: {  	v5 =	vld [tilespmem:s5+$0xFFFFFF30]  }
0x1f7: {  	v6 =	vld [tilespmem:s5+$0xFFFFFF20];
	_ =	sdelay $0x2  }
0x1f8: {  	v1 =	vmul.f32 v1, v3;
	v2 =	vmul.f32 v4, v2;
	_ =	sdelay $0x1  }
0x1f9: {  	v1 =	vmul.f32 v5, v1;
	v2 =	vmul.f32 v6, v2;
	_ =	sdelay $0x1  }
0x1fa: {  	v1 =	vadd.f32 v1, v2;
	_ =	sdelay $0x1  }
0x1fb: {  	[tilespmem:s31+$0xFFFFFF90] =	vst v1  }
0x1fc: {  	v1 =	vld [tilespmem:s26+$0xFFFFFF50]  }
0x1fd: {  	v2 =	vld [tilespmem:s26+$0xFFFFFF40]  }
0x1fe: {  	v3 =	vld [tilespmem:s30+$0xFFFFFF40]  }
0x1ff: {  	v4 =	vld [tilespmem:s30+$0xFFFFFF50]  }
0x200: {  	v5 =	vld [tilespmem:s5+$0xFFFFFF50]  }
0x201: {  	v6 =	vld [tilespmem:s5+$0xFFFFFF40];
	_ =	sdelay $0x2  }
0x202: {  	v2 =	vmul.f32 v2, v3;
	v1 =	vmul.f32 v1, v4;
	_ =	sdelay $0x1  }
0x203: {  	v2 =	vmul.f32 v6, v2;
	v1 =	vmul.f32 v5, v1;
	_ =	sdelay $0x1  }
0x204: {  	v1 =	vadd.f32 v1, v2;
	_ =	sdelay $0x1  }
0x205: {  	[tilespmem:s31+$0xFFFFFFA0] =	vst v1  }
0x206: {  	v1 =	vld [tilespmem:s30+$0xFFFFFF70]  }
0x207: {  	v2 =	vld [tilespmem:s26+$0xFFFFFF60]  }
0x208: {  	v3 =	vld [tilespmem:s30+$0xFFFFFF60]  }
0x209: {  	v4 =	vld [tilespmem:s26+$0xFFFFFF70]  }
0x20a: {  	v5 =	vld [tilespmem:s5+$0xFFFFFF70]  }
0x20b: {  	v6 =	vld [tilespmem:s5+$0xFFFFFF60];
	_ =	sdelay $0x2  }
0x20c: {  	v2 =	vmul.f32 v2, v3;
	v1 =	vmul.f32 v4, v1;
	_ =	sdelay $0x1  }
0x20d: {  	v2 =	vmul.f32 v6, v2;
	v1 =	vmul.f32 v5, v1;
	_ =	sdelay $0x1  }
0x20e: {  	v1 =	vadd.f32 v1, v2;
	_ =	sdelay $0x1  }
0x20f: {  	[tilespmem:s31+$0xFFFFFFB0] =	vst v1  }
0x210: {  	v1 =	vld [tilespmem:s30+$0xFFFFFF90]  }
0x211: {  	v2 =	vld [tilespmem:s26+$0xFFFFFF80]  }
0x212: {  	v3 =	vld [tilespmem:s30+$0xFFFFFF80]  }
0x213: {  	v4 =	vld [tilespmem:s26+$0xFFFFFF90]  }
0x214: {  	v5 =	vld [tilespmem:s5+$0xFFFFFF80]  }
0x215: {  	v6 =	vld [tilespmem:s5+$0xFFFFFF90];
	_ =	sdelay $0x2  }
0x216: {  	v2 =	vmul.f32 v2, v3;
	v1 =	vmul.f32 v4, v1;
	_ =	sdelay $0x1  }
0x217: {  	v2 =	vmul.f32 v5, v2;
	v1 =	vmul.f32 v6, v1;
	_ =	sdelay $0x1  }
0x218: {  	v1 =	vadd.f32 v1, v2;
	_ =	sdelay $0x1  }
0x219: {  	[tilespmem:s31+$0xFFFFFFC0] =	vst v1  }
0x21a: {  	v1 =	vld [tilespmem:s30+$0xFFFFFFB0]  }
0x21b: {  	v2 =	vld [tilespmem:s26+$0xFFFFFFA0]  }
0x21c: {  	v3 =	vld [tilespmem:s30+$0xFFFFFFA0]  }
0x21d: {  	v4 =	vld [tilespmem:s26+$0xFFFFFFB0]  }
0x21e: {  	v5 =	vld [tilespmem:s5+$0xFFFFFFA0]  }
0x21f: {  	v6 =	vld [tilespmem:s5+$0xFFFFFFB0];
	_ =	sdelay $0x2  }
0x220: {  	v2 =	vmul.f32 v2, v3;
	v1 =	vmul.f32 v4, v1;
	_ =	sdelay $0x1  }
0x221: {  	v2 =	vmul.f32 v5, v2;
	v1 =	vmul.f32 v6, v1;
	_ =	sdelay $0x1  }
0x222: {  	v1 =	vadd.f32 v1, v2;
	_ =	sdelay $0x1  }
0x223: {  	[tilespmem:s31+$0xFFFFFFD0] =	vst v1  }
0x224: {  	v1 =	vld [tilespmem:s26+$0xFFFFFFD0]  }
0x225: {  	v2 =	vld [tilespmem:s26+$0xFFFFFFC0]  }
0x226: {  	v3 =	vld [tilespmem:s30+$0xFFFFFFC0]  }
0x227: {  	v4 =	vld [tilespmem:s30+$0xFFFFFFD0]  }
0x228: {  	v5 =	vld [tilespmem:s5+$0xFFFFFFC0]  }
0x229: {  	v6 =	vld [tilespmem:s5+$0xFFFFFFD0];
	_ =	sdelay $0x2  }
0x22a: {  	v2 =	vmul.f32 v2, v3;
	v1 =	vmul.f32 v1, v4;
	_ =	sdelay $0x1  }
0x22b: {  	v2 =	vmul.f32 v5, v2;
	v1 =	vmul.f32 v6, v1;
	_ =	sdelay $0x1  }
0x22c: {  	v1 =	vadd.f32 v1, v2;
	_ =	sdelay $0x1  }
0x22d: {  	[tilespmem:s31+$0xFFFFFFE0] =	vst v1  }
0x22e: {  	v1 =	vld [tilespmem:s30+$0xFFFFFFE0]  }
0x22f: {  	v2 =	vld [tilespmem:s26+$0xFFFFFFE0]  }
0x230: {  	v3 =	vld [tilespmem:s30+$0xFFFFFFF0]  }
0x231: {  	v4 =	vld [tilespmem:s26+$0xFFFFFFF0]  }
0x232: {  	v5 =	vld [tilespmem:s5+$0xFFFFFFE0]  }
0x233: {  	v6 =	vld [tilespmem:s5+$0xFFFFFFF0];
	_ =	sdelay $0x2  }
0x234: {  	v1 =	vmul.f32 v2, v1;
	v2 =	vmul.f32 v4, v3;
	_ =	sdelay $0x1  }
0x235: {  	v1 =	vmul.f32 v5, v1;
	v2 =	vmul.f32 v6, v2;
	_ =	sdelay $0x1  }
0x236: {  	v1 =	vadd.f32 v2, v1;
	_ =	sdelay $0x1  }
0x237: {  	[tilespmem:s31+$0xFFFFFFF0] =	vst v1  }
0x238: {  	v1 =	vld [tilespmem:s30+$0x10]  }
0x239: {  	v2 =	vld [tilespmem:s26+$0x0]  }
0x23a: {  	v3 =	vld [tilespmem:s30+$0x0]  }
0x23b: {  	v4 =	vld [tilespmem:s26+$0x10]  }
0x23c: {  	v5 =	vld [tilespmem:s5+$0x0]  }
0x23d: {  	v6 =	vld [tilespmem:s5+$0x10];
	_ =	sdelay $0x2  }
0x23e: {  	v2 =	vmul.f32 v2, v3;
	v1 =	vmul.f32 v4, v1;
	_ =	sdelay $0x1  }
0x23f: {  	v2 =	vmul.f32 v5, v2;
	v1 =	vmul.f32 v6, v1;
	_ =	sdelay $0x1  }
0x240: {  	v1 =	vadd.f32 v1, v2;
	_ =	sdelay $0x1  }
0x241: {  	[tilespmem:s31+$0x0] =	vst v1  }
0x242: {  	v1 =	vld [tilespmem:s30+$0x30]  }
0x243: {  	v2 =	vld [tilespmem:s26+$0x20]  }
0x244: {  	v3 =	vld [tilespmem:s30+$0x20]  }
0x245: {  	v4 =	vld [tilespmem:s26+$0x30]  }
0x246: {  	v5 =	vld [tilespmem:s5+$0x20]  }
0x247: {  	v6 =	vld [tilespmem:s5+$0x30];
	_ =	sdelay $0x2  }
0x248: {  	v2 =	vmul.f32 v2, v3;
	v1 =	vmul.f32 v4, v1;
	_ =	sdelay $0x1  }
0x249: {  	v2 =	vmul.f32 v5, v2;
	v1 =	vmul.f32 v6, v1;
	_ =	sdelay $0x1  }
0x24a: {  	v1 =	vadd.f32 v1, v2;
	_ =	sdelay $0x1  }
0x24b: {  	[tilespmem:s31+$0x10] =	vst v1  }
0x24c: {  	v1 =	vld [tilespmem:s26+$0x50]  }
0x24d: {  	v2 =	vld [tilespmem:s30+$0x40]  }
0x24e: {  	v3 =	vld [tilespmem:s26+$0x40]  }
0x24f: {  	v4 =	vld [tilespmem:s30+$0x50]  }
0x250: {  	v5 =	vld [tilespmem:s5+$0x40]  }
0x251: {  	v6 =	vld [tilespmem:s5+$0x50];
	_ =	sdelay $0x2  }
0x252: {  	v2 =	vmul.f32 v3, v2;
	v1 =	vmul.f32 v1, v4;
	_ =	sdelay $0x1  }
0x253: {  	v2 =	vmul.f32 v5, v2;
	v1 =	vmul.f32 v6, v1;
	_ =	sdelay $0x1  }
0x254: {  	v1 =	vadd.f32 v1, v2;
	_ =	sdelay $0x1  }
0x255: {  	[tilespmem:s31+$0x20] =	vst v1  }
0x256: {  	v1 =	vld [tilespmem:s26+$0x60]  }
0x257: {  	v2 =	vld [tilespmem:s26+$0x70]  }
0x258: {  	v3 =	vld [tilespmem:s30+$0x70]  }
0x259: {  	v4 =	vld [tilespmem:s30+$0x60]  }
0x25a: {  	v5 =	vld [tilespmem:s5+$0x70]  }
0x25b: {  	v6 =	vld [tilespmem:s5+$0x60];
	_ =	sdelay $0x2  }
0x25c: {  	v2 =	vmul.f32 v2, v3;
	v1 =	vmul.f32 v1, v4;
	_ =	sdelay $0x1  }
0x25d: {  	v2 =	vmul.f32 v5, v2;
	v1 =	vmul.f32 v6, v1;
	_ =	sdelay $0x1  }
0x25e: {  	v1 =	vadd.f32 v2, v1;
	_ =	sdelay $0x1  }
0x25f: {  	[tilespmem:s31+$0x30] =	vst v1  }
0x260: {  	v1 =	vld [tilespmem:s26+$0x90]  }
0x261: {  	v2 =	vld [tilespmem:s26+$0x80]  }
0x262: {  	v3 =	vld [tilespmem:s30+$0x90]  }
0x263: {  	v4 =	vld [tilespmem:s30+$0x80]  }
0x264: {  	v5 =	vld [tilespmem:s5+$0x90]  }
0x265: {  	v6 =	vld [tilespmem:s5+$0x80];
	_ =	sdelay $0x2  }
0x266: {  	v1 =	vmul.f32 v1, v3;
	v2 =	vmul.f32 v2, v4;
	_ =	sdelay $0x1  }
0x267: {  	v1 =	vmul.f32 v5, v1;
	v2 =	vmul.f32 v6, v2;
	_ =	sdelay $0x1  }
0x268: {  	v1 =	vadd.f32 v1, v2;
	_ =	sdelay $0x1  }
0x269: {  	[tilespmem:s31+$0x40] =	vst v1  }
0x26a: {  	v1 =	vld [tilespmem:s26+$0xB0]  }
0x26b: {  	v2 =	vld [tilespmem:s26+$0xA0]  }
0x26c: {  	v3 =	vld [tilespmem:s30+$0xA0]  }
0x26d: {  	v4 =	vld [tilespmem:s30+$0xB0]  }
0x26e: {  	v5 =	vld [tilespmem:s5+$0xA0]  }
0x26f: {  	v6 =	vld [tilespmem:s5+$0xB0];
	_ =	sdelay $0x2  }
0x270: {  	v2 =	vmul.f32 v2, v3;
	v1 =	vmul.f32 v1, v4;
	_ =	sdelay $0x1  }
0x271: {  	v2 =	vmul.f32 v5, v2;
	v1 =	vmul.f32 v6, v1;
	_ =	sdelay $0x1  }
0x272: {  	v1 =	vadd.f32 v1, v2;
	_ =	sdelay $0x1  }
0x273: {  	[tilespmem:s31+$0x50] =	vst v1  }
0x274: {  	v1 =	vld [tilespmem:s26+$0xC0]  }
0x275: {  	v2 =	vld [tilespmem:s30+$0xD0]  }
0x276: {  	v3 =	vld [tilespmem:s30+$0xC0]  }
0x277: {  	v4 =	vld [tilespmem:s26+$0xD0]  }
0x278: {  	v5 =	vld [tilespmem:s5+$0xC0]  }
0x279: {  	v6 =	vld [tilespmem:s5+$0xD0];
	_ =	sdelay $0x2  }
0x27a: {  	v1 =	vmul.f32 v1, v3;
	v2 =	vmul.f32 v4, v2;
	_ =	sdelay $0x1  }
0x27b: {  	v1 =	vmul.f32 v5, v1;
	v2 =	vmul.f32 v6, v2;
	_ =	sdelay $0x1  }
0x27c: {  	v1 =	vadd.f32 v2, v1;
	_ =	sdelay $0x1  }
0x27d: {  	[tilespmem:s31+$0x60] =	vst v1  }
0x27e: {  	v1 =	vld [tilespmem:s30+$0xE0]  }
0x27f: {  	v2 =	vld [tilespmem:s26+$0xF0]  }
0x280: {  	v3 =	vld [tilespmem:s26+$0xE0]  }
0x281: {  	v4 =	vld [tilespmem:s30+$0xF0]  }
0x282: {  	v5 =	vld [tilespmem:s5+$0xE0]  }
0x283: {  	v6 =	vld [tilespmem:s5+$0xF0];
	_ =	sdelay $0x2  }
0x284: {  	v1 =	vmul.f32 v3, v1;
	v3 =	vmov s0;
	v2 =	vmul.f32 v2, v4  }
0x285: {  	v3 =	vshll.u32 v3, $0x4  }
0x286: {  	v1 =	vmul.f32 v5, v1;
	v5 =	vor.u32 v0, v3;
	v2 =	vmul.f32 v6, v2;
	_ =	sdelay $0x1  }
0x287: {  	v3 =	vor.u32 $0x1, v5;
	v1 =	vadd.f32 v2, v1;
	_ =	sdelay $0x1  }
0x288: {  	v2 =	vor.u32 $0x2, v5;
	[tilespmem:s31+$0x70] =	vst v1  }
0x289: {  	v1 =	vor.u32 $0x3, v5;
	v4 =	vld.idx.msk [tilespmem:v5+s25+$0x0], $0xffff  }
0x28a: {  	v8 =	vor.u32 $0x6, v5  }
0x28b: {  	v6 =	vor.u32 $0x4, v5;
	v3 =	vld.idx.msk [tilespmem:v3+s25+$0x0], $0xffff  }
0x28c: {  	v7 =	vor.u32 $0x5, v5  }
0x28d: {  	v9 =	vor.u32 $0x7, v5;
	v2 =	vld.idx.msk [tilespmem:v2+s25+$0x0], $0xffff  }
0x28e: {  	v11 =	vor.u32 $0x8, v5;
	v10 =	vld.idx.msk [tilespmem:v1+s25+$0x0], $0xffff;
	v1 =	vadd.f32 $0.0e+00, v4  }
0x28f: {  	v13 =	vld.idx.msk [tilespmem:v8+s25+$0x0], $0xffff;
	v8 =	vor.u32 $0xB, v5  }
0x290: {  	v6 =	vld.idx.msk [tilespmem:v6+s25+$0x0], $0xffff;
	v4 =	vor.u32 $0x9, v5;
	v3 =	vadd.f32 v3, v1  }
0x291: {  	v12 =	vld.idx.msk [tilespmem:v7+s25+$0x0], $0xffff;
	v7 =	vor.u32 $0xA, v5  }
0x292: {  	v1 =	vld.idx.msk [tilespmem:v9+s25+$0x0], $0xffff;
	v9 =	vor.u32 $0xC, v5;
	v14 =	vadd.f32 v2, v3  }
0x293: {  	v15 =	vor.u32 $0xE, v5;
	v2 =	vld.idx.msk [tilespmem:v11+s25+$0x0], $0xffff  }
0x294: {  	v63 =	vor.u32 $0xF, v5;
	v11 =	vor.u32 $0xD, v5;
	v5 =	vld.idx.msk [tilespmem:v8+s25+$0x0], $0xffff;
	v10 =	vadd.f32 v10, v14  }
0x295: {  	v3 =	vld.idx.msk [tilespmem:v4+s25+$0x0], $0xffff  }
0x296: {  	v4 =	vld.idx.msk [tilespmem:v7+s25+$0x0], $0xffff;
	v8 =	vadd.f32 v6, v10  }
0x297: {  	v7 =	vld.idx.msk [tilespmem:v9+s25+$0x0], $0xffff  }
0x298: {  	v9 =	vld.idx.msk [tilespmem:v15+s25+$0x0], $0xffff;
	v10 =	vadd.f32 v12, v8  }
0x299: {  	s23 =	simm.s32 $0x4500;
	v6 =	vld.idx.msk [tilespmem:v11+s25+$0x0], $0xffff  }
0x29a: {  	s1 =	simm.s32 $0xE200;
	s26 =	simm.s32 $0x8500;
	s0 =	simm.s32 $0x10;
	v8 =	vld.idx.msk [tilespmem:v63+s25+$0x0], $0xffff;
	v10 =	vadd.f32 v13, v10  }
.LBB2_4:
0x29b: {  	s31 =	sadd.s32 $0x100, s31;
	s29 =	sadd.s32 $0x10, s29;
	s30 =	sadd.s32 $0x200, s30  }
0x29c: {  	p0 =	sne.s32 s0, $0x1F0;
	s5 =	smov.u32 s0;
	s0 =	sadd.s32 $0x10, s0;
	v1 =	vadd.f32 v1, v10  }
0x29d: {  	_ = 	snop  }
0x29e: {  	v1 =	vadd.f32 v2, v1;
	_ =	sdelay $0x1  }
0x29f: {  	v1 =	vadd.f32 v3, v1;
	_ =	sdelay $0x1  }
0x2a0: {  	v1 =	vadd.f32 v4, v1;
	_ =	sdelay $0x1  }
0x2a1: {  	v1 =	vadd.f32 v5, v1;
	_ =	sdelay $0x1  }
0x2a2: {  	v1 =	vadd.f32 v7, v1;
	_ =	sdelay $0x1  }
0x2a3: {  	v1 =	vadd.f32 v6, v1;
	_ =	sdelay $0x1  }
0x2a4: {  	v1 =	vadd.f32 v9, v1;
	_ =	sdelay $0x1  }
0x2a5: {  	v1 =	vadd.f32 v8, v1;
	_ =	sdelay $0x1  }
0x2a6: {  	v1 =	vsub.f32 $0.0e+00, v1;
	_ =	sdelay $0x1  }
0x2a7: {  	v1 =	vmul.f32 $1.442695020e+00, v1;
	_ =	sdelay $0x1  }
0x2a8: {  	(erf) = vpow2.f32 v1;
	_ =	sdelay $0x8  }
0x2a9: {  	v1 =	vpop (erf)  }
0x2aa: {  	v1 =	vadd.f32 $1.000000000e+00, v1;
	_ =	sdelay $0x1  }
0x2ab: {  	(erf) = vrcp.f32 v1;
	_ =	sdelay $0x8  }
0x2ac: {  	v1 =	vpop (erf)  }
0x2ad: {  	[tilespmem:s1+$0x0] =	vst v1;
	s1 =	smov.u32 s29  }
0x2ae: {  	v1 =	vld [tilespmem:s30+$0xFFFFFF00]  }
0x2af: {  	v2 =	vld [tilespmem:s23+$0xFFFFFF10]  }
0x2b0: {  	v3 =	vld [tilespmem:s30+$0xFFFFFF10]  }
0x2b1: {  	v4 =	vld [tilespmem:s23+$0xFFFFFF00]  }
0x2b2: {  	v5 =	vld [tilespmem:s26+$0xFFFFFF10]  }
0x2b3: {  	v6 =	vld [tilespmem:s26+$0xFFFFFF00];
	_ =	sdelay $0x1  }
0x2b4: {  	v2 =	vmul.f32 v2, v3  }
0x2b5: {  	v1 =	vmul.f32 v4, v1;
	_ =	sdelay $0x1  }
0x2b6: {  	v2 =	vmul.f32 v5, v2;
	v1 =	vmul.f32 v6, v1;
	_ =	sdelay $0x1  }
0x2b7: {  	v1 =	vadd.f32 v2, v1;
	_ =	sdelay $0x1  }
0x2b8: {  	[tilespmem:s31+$0xFFFFFF80] =	vst v1  }
0x2b9: {  	v1 =	vld [tilespmem:s23+$0xFFFFFF30]  }
0x2ba: {  	v2 =	vld [tilespmem:s30+$0xFFFFFF20]  }
0x2bb: {  	v3 =	vld [tilespmem:s30+$0xFFFFFF30]  }
0x2bc: {  	v4 =	vld [tilespmem:s23+$0xFFFFFF20]  }
0x2bd: {  	v5 =	vld [tilespmem:s26+$0xFFFFFF30]  }
0x2be: {  	v6 =	vld [tilespmem:s26+$0xFFFFFF20];
	_ =	sdelay $0x1  }
0x2bf: {  	v1 =	vmul.f32 v1, v3  }
0x2c0: {  	v2 =	vmul.f32 v4, v2  }
0x2c1: {  	v1 =	vmul.f32 v5, v1  }
0x2c2: {  	v2 =	vmul.f32 v6, v2;
	_ =	sdelay $0x1  }
0x2c3: {  	v1 =	vadd.f32 v1, v2;
	_ =	sdelay $0x1  }
0x2c4: {  	[tilespmem:s31+$0xFFFFFF90] =	vst v1  }
0x2c5: {  	v1 =	vld [tilespmem:s23+$0xFFFFFF50]  }
0x2c6: {  	v2 =	vld [tilespmem:s23+$0xFFFFFF40]  }
0x2c7: {  	v3 =	vld [tilespmem:s30+$0xFFFFFF40]  }
0x2c8: {  	v4 =	vld [tilespmem:s30+$0xFFFFFF50]  }
0x2c9: {  	v5 =	vld [tilespmem:s26+$0xFFFFFF50]  }
0x2ca: {  	v6 =	vld [tilespmem:s26+$0xFFFFFF40];
	_ =	sdelay $0x1  }
0x2cb: {  	v2 =	vmul.f32 v2, v3  }
0x2cc: {  	v1 =	vmul.f32 v1, v4;
	_ =	sdelay $0x1  }
0x2cd: {  	v2 =	vmul.f32 v6, v2;
	v1 =	vmul.f32 v5, v1;
	_ =	sdelay $0x1  }
0x2ce: {  	v1 =	vadd.f32 v1, v2;
	_ =	sdelay $0x1  }
0x2cf: {  	[tilespmem:s31+$0xFFFFFFA0] =	vst v1  }
0x2d0: {  	v1 =	vld [tilespmem:s30+$0xFFFFFF70]  }
0x2d1: {  	v2 =	vld [tilespmem:s23+$0xFFFFFF60]  }
0x2d2: {  	v3 =	vld [tilespmem:s30+$0xFFFFFF60]  }
0x2d3: {  	v4 =	vld [tilespmem:s23+$0xFFFFFF70]  }
0x2d4: {  	v5 =	vld [tilespmem:s26+$0xFFFFFF70]  }
0x2d5: {  	v6 =	vld [tilespmem:s26+$0xFFFFFF60];
	_ =	sdelay $0x1  }
0x2d6: {  	v2 =	vmul.f32 v2, v3  }
0x2d7: {  	v1 =	vmul.f32 v4, v1;
	_ =	sdelay $0x1  }
0x2d8: {  	v2 =	vmul.f32 v6, v2;
	v1 =	vmul.f32 v5, v1;
	_ =	sdelay $0x1  }
0x2d9: {  	v1 =	vadd.f32 v1, v2;
	_ =	sdelay $0x1  }
0x2da: {  	[tilespmem:s31+$0xFFFFFFB0] =	vst v1  }
0x2db: {  	v1 =	vld [tilespmem:s30+$0xFFFFFF90]  }
0x2dc: {  	v2 =	vld [tilespmem:s23+$0xFFFFFF80]  }
0x2dd: {  	v3 =	vld [tilespmem:s30+$0xFFFFFF80]  }
0x2de: {  	v4 =	vld [tilespmem:s23+$0xFFFFFF90]  }
0x2df: {  	v5 =	vld [tilespmem:s26+$0xFFFFFF80]  }
0x2e0: {  	v6 =	vld [tilespmem:s26+$0xFFFFFF90];
	_ =	sdelay $0x1  }
0x2e1: {  	v2 =	vmul.f32 v2, v3  }
0x2e2: {  	v1 =	vmul.f32 v4, v1;
	_ =	sdelay $0x1  }
0x2e3: {  	v2 =	vmul.f32 v5, v2;
	v1 =	vmul.f32 v6, v1;
	_ =	sdelay $0x1  }
0x2e4: {  	v1 =	vadd.f32 v1, v2;
	_ =	sdelay $0x1  }
0x2e5: {  	[tilespmem:s31+$0xFFFFFFC0] =	vst v1  }
0x2e6: {  	v1 =	vld [tilespmem:s30+$0xFFFFFFB0]  }
0x2e7: {  	v2 =	vld [tilespmem:s23+$0xFFFFFFA0]  }
0x2e8: {  	v3 =	vld [tilespmem:s30+$0xFFFFFFA0]  }
0x2e9: {  	v4 =	vld [tilespmem:s23+$0xFFFFFFB0]  }
0x2ea: {  	v5 =	vld [tilespmem:s26+$0xFFFFFFA0]  }
0x2eb: {  	v6 =	vld [tilespmem:s26+$0xFFFFFFB0];
	_ =	sdelay $0x1  }
0x2ec: {  	v2 =	vmul.f32 v2, v3  }
0x2ed: {  	v1 =	vmul.f32 v4, v1;
	_ =	sdelay $0x1  }
0x2ee: {  	v2 =	vmul.f32 v5, v2;
	v1 =	vmul.f32 v6, v1;
	_ =	sdelay $0x1  }
0x2ef: {  	v1 =	vadd.f32 v1, v2;
	_ =	sdelay $0x1  }
0x2f0: {  	[tilespmem:s31+$0xFFFFFFD0] =	vst v1  }
0x2f1: {  	v1 =	vld [tilespmem:s23+$0xFFFFFFD0]  }
0x2f2: {  	v2 =	vld [tilespmem:s23+$0xFFFFFFC0]  }
0x2f3: {  	v3 =	vld [tilespmem:s30+$0xFFFFFFC0]  }
0x2f4: {  	v4 =	vld [tilespmem:s30+$0xFFFFFFD0]  }
0x2f5: {  	v5 =	vld [tilespmem:s26+$0xFFFFFFC0]  }
0x2f6: {  	v6 =	vld [tilespmem:s26+$0xFFFFFFD0];
	_ =	sdelay $0x1  }
0x2f7: {  	v2 =	vmul.f32 v2, v3  }
0x2f8: {  	v1 =	vmul.f32 v1, v4;
	_ =	sdelay $0x1  }
0x2f9: {  	v2 =	vmul.f32 v5, v2;
	v1 =	vmul.f32 v6, v1;
	_ =	sdelay $0x1  }
0x2fa: {  	v1 =	vadd.f32 v1, v2;
	_ =	sdelay $0x1  }
0x2fb: {  	[tilespmem:s31+$0xFFFFFFE0] =	vst v1  }
0x2fc: {  	v1 =	vld [tilespmem:s30+$0xFFFFFFE0]  }
0x2fd: {  	v2 =	vld [tilespmem:s23+$0xFFFFFFE0]  }
0x2fe: {  	v3 =	vld [tilespmem:s30+$0xFFFFFFF0]  }
0x2ff: {  	v4 =	vld [tilespmem:s23+$0xFFFFFFF0]  }
0x300: {  	v5 =	vld [tilespmem:s26+$0xFFFFFFE0]  }
0x301: {  	v6 =	vld [tilespmem:s26+$0xFFFFFFF0]  }
0x302: {  	v1 =	vmul.f32 v2, v1;
	_ =	sdelay $0x1  }
0x303: {  	v2 =	vmul.f32 v4, v3  }
0x304: {  	v1 =	vmul.f32 v5, v1  }
0x305: {  	v2 =	vmul.f32 v6, v2;
	_ =	sdelay $0x1  }
0x306: {  	v1 =	vadd.f32 v2, v1;
	_ =	sdelay $0x1  }
0x307: {  	[tilespmem:s31+$0xFFFFFFF0] =	vst v1  }
0x308: {  	v1 =	vld [tilespmem:s30+$0x10]  }
0x309: {  	v2 =	vld [tilespmem:s23+$0x0]  }
0x30a: {  	v3 =	vld [tilespmem:s30+$0x0]  }
0x30b: {  	v4 =	vld [tilespmem:s23+$0x10]  }
0x30c: {  	v5 =	vld [tilespmem:s26+$0x0]  }
0x30d: {  	v6 =	vld [tilespmem:s26+$0x10];
	_ =	sdelay $0x1  }
0x30e: {  	v2 =	vmul.f32 v2, v3  }
0x30f: {  	v1 =	vmul.f32 v4, v1;
	_ =	sdelay $0x1  }
0x310: {  	v2 =	vmul.f32 v5, v2;
	v1 =	vmul.f32 v6, v1;
	_ =	sdelay $0x1  }
0x311: {  	v1 =	vadd.f32 v1, v2;
	_ =	sdelay $0x1  }
0x312: {  	[tilespmem:s31+$0x0] =	vst v1  }
0x313: {  	v1 =	vld [tilespmem:s30+$0x30]  }
0x314: {  	v2 =	vld [tilespmem:s23+$0x20]  }
0x315: {  	v3 =	vld [tilespmem:s30+$0x20]  }
0x316: {  	v4 =	vld [tilespmem:s23+$0x30]  }
0x317: {  	v5 =	vld [tilespmem:s26+$0x20]  }
0x318: {  	v6 =	vld [tilespmem:s26+$0x30];
	_ =	sdelay $0x1  }
0x319: {  	v2 =	vmul.f32 v2, v3  }
0x31a: {  	v1 =	vmul.f32 v4, v1;
	_ =	sdelay $0x1  }
0x31b: {  	v2 =	vmul.f32 v5, v2;
	v1 =	vmul.f32 v6, v1;
	_ =	sdelay $0x1  }
0x31c: {  	v1 =	vadd.f32 v1, v2;
	_ =	sdelay $0x1  }
0x31d: {  	[tilespmem:s31+$0x10] =	vst v1  }
0x31e: {  	v1 =	vld [tilespmem:s23+$0x50]  }
0x31f: {  	v2 =	vld [tilespmem:s30+$0x40]  }
0x320: {  	v3 =	vld [tilespmem:s23+$0x40]  }
0x321: {  	v4 =	vld [tilespmem:s30+$0x50]  }
0x322: {  	v5 =	vld [tilespmem:s26+$0x40]  }
0x323: {  	v6 =	vld [tilespmem:s26+$0x50];
	_ =	sdelay $0x1  }
0x324: {  	v2 =	vmul.f32 v3, v2  }
0x325: {  	v1 =	vmul.f32 v1, v4;
	_ =	sdelay $0x1  }
0x326: {  	v2 =	vmul.f32 v5, v2;
	v1 =	vmul.f32 v6, v1;
	_ =	sdelay $0x1  }
0x327: {  	v1 =	vadd.f32 v1, v2;
	_ =	sdelay $0x1  }
0x328: {  	[tilespmem:s31+$0x20] =	vst v1  }
0x329: {  	v1 =	vld [tilespmem:s23+$0x60]  }
0x32a: {  	v2 =	vld [tilespmem:s23+$0x70]  }
0x32b: {  	v3 =	vld [tilespmem:s30+$0x70]  }
0x32c: {  	v4 =	vld [tilespmem:s30+$0x60]  }
0x32d: {  	v5 =	vld [tilespmem:s26+$0x70]  }
0x32e: {  	v6 =	vld [tilespmem:s26+$0x60];
	_ =	sdelay $0x1  }
0x32f: {  	v2 =	vmul.f32 v2, v3  }
0x330: {  	v1 =	vmul.f32 v1, v4  }
0x331: {  	v2 =	vmul.f32 v5, v2  }
0x332: {  	v1 =	vmul.f32 v6, v1;
	_ =	sdelay $0x1  }
0x333: {  	v1 =	vadd.f32 v2, v1;
	_ =	sdelay $0x1  }
0x334: {  	[tilespmem:s31+$0x30] =	vst v1  }
0x335: {  	v1 =	vld [tilespmem:s23+$0x90]  }
0x336: {  	v2 =	vld [tilespmem:s23+$0x80]  }
0x337: {  	v3 =	vld [tilespmem:s30+$0x90]  }
0x338: {  	v4 =	vld [tilespmem:s30+$0x80]  }
0x339: {  	v5 =	vld [tilespmem:s26+$0x90]  }
0x33a: {  	v6 =	vld [tilespmem:s26+$0x80];
	_ =	sdelay $0x1  }
0x33b: {  	v1 =	vmul.f32 v1, v3  }
0x33c: {  	v2 =	vmul.f32 v2, v4  }
0x33d: {  	v1 =	vmul.f32 v5, v1  }
0x33e: {  	v2 =	vmul.f32 v6, v2;
	_ =	sdelay $0x1  }
0x33f: {  	v1 =	vadd.f32 v1, v2;
	_ =	sdelay $0x1  }
0x340: {  	[tilespmem:s31+$0x40] =	vst v1  }
0x341: {  	v1 =	vld [tilespmem:s23+$0xB0]  }
0x342: {  	v2 =	vld [tilespmem:s23+$0xA0]  }
0x343: {  	v3 =	vld [tilespmem:s30+$0xA0]  }
0x344: {  	v4 =	vld [tilespmem:s30+$0xB0]  }
0x345: {  	v5 =	vld [tilespmem:s26+$0xA0]  }
0x346: {  	v6 =	vld [tilespmem:s26+$0xB0];
	_ =	sdelay $0x1  }
0x347: {  	v2 =	vmul.f32 v2, v3  }
0x348: {  	v1 =	vmul.f32 v1, v4;
	_ =	sdelay $0x1  }
0x349: {  	v2 =	vmul.f32 v5, v2;
	v1 =	vmul.f32 v6, v1;
	_ =	sdelay $0x1  }
0x34a: {  	v1 =	vadd.f32 v1, v2;
	_ =	sdelay $0x1  }
0x34b: {  	[tilespmem:s31+$0x50] =	vst v1  }
0x34c: {  	v1 =	vld [tilespmem:s23+$0xC0]  }
0x34d: {  	v2 =	vld [tilespmem:s30+$0xD0]  }
0x34e: {  	v3 =	vld [tilespmem:s30+$0xC0]  }
0x34f: {  	v4 =	vld [tilespmem:s23+$0xD0]  }
0x350: {  	v5 =	vld [tilespmem:s26+$0xC0]  }
0x351: {  	v6 =	vld [tilespmem:s26+$0xD0];
	_ =	sdelay $0x1  }
0x352: {  	v1 =	vmul.f32 v1, v3  }
0x353: {  	v2 =	vmul.f32 v4, v2;
	_ =	sdelay $0x1  }
0x354: {  	v1 =	vmul.f32 v5, v1;
	v2 =	vmul.f32 v6, v2;
	_ =	sdelay $0x1  }
0x355: {  	v1 =	vadd.f32 v2, v1;
	_ =	sdelay $0x1  }
0x356: {  	[tilespmem:s31+$0x60] =	vst v1  }
0x357: {  	v1 =	vld [tilespmem:s30+$0xE0]  }
0x358: {  	v2 =	vld [tilespmem:s23+$0xF0]  }
0x359: {  	v3 =	vld [tilespmem:s23+$0xE0]  }
0x35a: {  	v4 =	vld [tilespmem:s30+$0xF0]  }
0x35b: {  	v5 =	vld [tilespmem:s26+$0xE0]  }
0x35c: {  	v6 =	vld [tilespmem:s26+$0xF0];
	_ =	sdelay $0x1  }
0x35d: {  	v1 =	vmul.f32 v3, v1;
	v3 =	vmov s5  }
0x35e: {  	v2 =	vmul.f32 v2, v4;
	v3 =	vshll.u32 v3, $0x4  }
0x35f: {  	v1 =	vmul.f32 v5, v1;
	v5 =	vor.u32 v0, v3  }
0x360: {  	v2 =	vmul.f32 v6, v2  }
0x361: {  	v3 =	vor.u32 $0x1, v5  }
0x362: {  	v1 =	vadd.f32 v2, v1;
	v2 =	vor.u32 $0x2, v5  }
0x363: {  	v4 =	vor.u32 $0x3, v5  }
0x364: {  	[tilespmem:s31+$0x70] =	vst v1;
	v1 =	vor.u32 $0x4, v5  }
0x365: {  	v7 =	vor.u32 $0x5, v5;
	v6 =	vld.idx.msk [tilespmem:v5+s25+$0x0], $0xffff  }
0x366: {  	v8 =	vor.u32 $0x6, v5;
	v3 =	vld.idx.msk [tilespmem:v3+s25+$0x0], $0xffff  }
0x367: {  	v9 =	vld.idx.msk [tilespmem:v2+s25+$0x0], $0xffff;
	v2 =	vor.u32 $0x7, v5  }
0x368: {  	v10 =	vld.idx.msk [tilespmem:v4+s25+$0x0], $0xffff;
	v4 =	vor.u32 $0x8, v5  }
0x369: {  	v12 =	vor.u32 $0x9, v5;
	v11 =	vld.idx.msk [tilespmem:v1+s25+$0x0], $0xffff  }
0x36a: {  	v13 =	vld.idx.msk [tilespmem:v7+s25+$0x0], $0xffff;
	v7 =	vor.u32 $0xA, v5  }
0x36b: {  	v6 =	vadd.f32 $0.0e+00, v6;
	v14 =	vld.idx.msk [tilespmem:v8+s25+$0x0], $0xffff;
	v8 =	vor.u32 $0xB, v5  }
0x36c: {  	v15 =	vor.u32 $0xC, v5;
	v1 =	vld.idx.msk [tilespmem:v2+s25+$0x0], $0xffff  }
0x36d: {  	v16 =	vor.u32 $0xD, v5;
	v6 =	vadd.f32 v3, v6;
	v2 =	vld.idx.msk [tilespmem:v4+s25+$0x0], $0xffff  }
0x36e: {  	v3 =	vld.idx.msk [tilespmem:v12+s25+$0x0], $0xffff;
	v12 =	vor.u32 $0xE, v5  }
0x36f: {  	v17 =	vor.u32 $0xF, v5;
	v6 =	vadd.f32 v9, v6;
	v4 =	vld.idx.msk [tilespmem:v7+s25+$0x0], $0xffff  }
0x370: {  	v5 =	vld.idx.msk [tilespmem:v8+s25+$0x0], $0xffff  }
0x371: {  	v8 =	vadd.f32 v10, v6;
	v7 =	vld.idx.msk [tilespmem:v15+s25+$0x0], $0xffff  }
0x372: {  	v6 =	vld.idx.msk [tilespmem:v16+s25+$0x0], $0xffff  }
.Ltmp1:
0x373: {  	v10 =	vadd.f32 v11, v8;
	v9 =	vld.idx.msk [tilespmem:v12+s25+$0x0], $0xffff;
	(pc) =	sbr.rel @p0 .LBB2_4-.Ltmp1, $3  }
0x374: {  	v8 =	vld.idx.msk [tilespmem:v17+s25+$0x0], $0xffff  }
0x375: {  	v10 =	vadd.f32 v13, v10;
	_ =	sdelay $0x1  }
0x376: {  	s23 =	sadd.s32 $0x200, s23;
	s26 =	sadd.s32 $0x200, s26;
	v10 =	vadd.f32 v14, v10  }
0x377: {  	_ = 	snop  }
0x378: {  	v1 =	vadd.f32 v1, v10;
	_ =	sdelay $0x1  }
0x379: {  	v1 =	vadd.f32 v2, v1;
	_ =	sdelay $0x1  }
0x37a: {  	v1 =	vadd.f32 v3, v1;
	_ =	sdelay $0x1  }
0x37b: {  	v1 =	vadd.f32 v4, v1;
	_ =	sdelay $0x1  }
0x37c: {  	v1 =	vadd.f32 v5, v1;
	_ =	sdelay $0x1  }
0x37d: {  	v1 =	vadd.f32 v7, v1;
	_ =	sdelay $0x1  }
0x37e: {  	v1 =	vadd.f32 v6, v1;
	_ =	sdelay $0x1  }
0x37f: {  	v1 =	vadd.f32 v9, v1;
	_ =	sdelay $0x1  }
0x380: {  	v1 =	vadd.f32 v8, v1;
	_ =	sdelay $0x1  }
0x381: {  	v1 =	vsub.f32 $0.0e+00, v1;
	_ =	sdelay $0x1  }
0x382: {  	v1 =	vmul.f32 $1.442695020e+00, v1;
	_ =	sdelay $0x1  }
0x383: {  	(erf) = vpow2.f32 v1;
	_ =	sdelay $0x8  }
0x384: {  	v1 =	vpop (erf)  }
0x385: {  	v1 =	vadd.f32 $1.000000000e+00, v1;
	_ =	sdelay $0x1  }
0x386: {  	(erf) = vrcp.f32 v1;
	_ =	sdelay $0x8  }
0x387: {  	v1 =	vpop (erf)  }
0x388: {  	s0 =	simm.s32 $0xE200;
	[tilespmem:s1+$0x0] =	vst v1  }
0x389: {  	[hbm4b:s14+s2] =	stream.linear.scatter [tilespmem:s0], [sflag:$0x2], $0x200, $0x38;
	[tilespmem:$0xE400] =	vst v63  }
0x38a: {  	_ =	swait.ge [sflag:s20], $0x200  }
0x38b: {  	[sflag:s20] =	ssyncset.done $0x0  }
0x38c: {  	[sflag:s20] =	ssyncadd.s32 $0xFFFFFE00  }
0x38d: {  	[tilespmem:s2], [sflag:$0x2] =	stream.linear.gather [hbm4b:s15+s2], $0x200, $0x38;
	[tilespmem:$0xE400] =	vst v63  }
0x38e: {  	_ =	swait.ge [sflag:s20], $0x200  }
0x38f: {  	[sflag:s20] =	ssyncset.done $0x0  }
0x390: {  	[sflag:s20] =	ssyncadd.s32 $0xFFFFFE00  }
0x391: {  	[tilespmem:s21], [sflag:$0x1] =	stream.indirect.gather [hbm4b:s3+s21], $0x20, s2, s21, $0xb8;
	[tilespmem:$0xE400] =	vst v63  }
0x392: {  	_ =	swait.ge [sflag:s22], $0x4000  }
0x393: {  	[sflag:s22] =	ssyncset.done $0x0  }
0x394: {  	[sflag:s22] =	ssyncadd.s32 $0xFFFFC000  }
0x395: {  	[hbm4b:s16+s2] =	stream.linear.scatter [tilespmem:s21], [sflag:$0x2], $0x4000, $0x38;
	[tilespmem:$0xE400] =	vst v63  }
0x396: {  	_ =	swait.ge [sflag:s20], $0x4000  }
0x397: {  	[sflag:s20] =	ssyncset.done $0x0  }
0x398: {  	[sflag:s20] =	ssyncadd.s32 $0xFFFFC000  }
0x399: {  	[tilespmem:s2], [sflag:$0x2] =	stream.linear.gather [hbm4b:s17+s2], $0x200, $0x38;
	[tilespmem:$0xE400] =	vst v63  }
0x39a: {  	_ =	swait.ge [sflag:s20], $0x200  }
0x39b: {  	[sflag:s20] =	ssyncset.done $0x0  }
0x39c: {  	[sflag:s20] =	ssyncadd.s32 $0xFFFFFE00  }
0x39d: {  	[tilespmem:s24], [sflag:$0x1] =	stream.indirect.gather [hbm4b:s4+s21], $0x20, s2, s21, $0xb8;
	[tilespmem:$0xE400] =	vst v63  }
0x39e: {  	s28 =	sadd.s32 $0x1, s28;
	_ =	swait.ge [sflag:s22], $0x4000  }
0x39f: {  	p0 =	sne.s32 s28, s19;
	[sflag:s22] =	ssyncset.done $0x0  }
.Ltmp2:
0x3a0: {  	[sflag:s22] =	ssyncadd.s32 $0xFFFFC000;
	(pc) =	sbr.rel @p0 .LBB2_1-.Ltmp2, $4  }
0x3a1: {  	[hbm4b:s18+s2] =	stream.linear.scatter [tilespmem:s24], [sflag:$0x2], $0x4000, $0x38;
	[tilespmem:$0xE400] =	vst v63  }
0x3a2: {  	_ =	swait.ge [sflag:s20], $0x4000  }
0x3a3: {  	[sflag:s20] =	ssyncset.done $0x0  }
0x3a4: {  	[sflag:s20] =	ssyncadd.s32 $0xFFFFC000  }
0x3a5: {  	_ =	sfence.sel $0x180000  }
0x3a6: {  	[bflag:$0x0] =	sbarrier.arrive $0xFFFF  }
0x3a7: {  	_ =	strace $0x90000047  }
0x3a8: {  	s0 =	stileid.u32;
	[bflag:$0x2] =	sbarrier.arrive $0xFFFF  }
0x3a9: {  	p0 =	sne.s32 s0, $0x0;
	s0 =	rddreg [dreg:$0x4]  }
0x3aa: {  	s0 =	sadd.s32 @!p0 $0x100000, s0  }
0x3ab: {  	[sflag:s0] =	ssyncadd.tile.s32 @!p0 $0x1;
	_ =	shalt  }
.Lfunc_end2:
_tile_overlayer_lowered:
.L_overlay_start_2:
0x3ac: {  	(tag) =	ssettag $0x2  }
0x3ad: {  	s0 =	rddreg [dreg:$0x0];
	s2 =	stileid.u32  }
0x3ae: {  	s1 =	rddreg [dreg:$0x1];
	p0 =	sne.s32 s2, $0x0  }
0x3af: {  	s3 =	rddreg [dreg:$0x2];
	[bflag:$0x3] =	sbarrier.arrive $0xFFFF;
	s2 =	simm.s32 @!p0 $0x1C02  }
0x3b0: {  	[timem:s3], [sflag:s2] =	dma.local @!p0 [hbm:s0], s1  }
0x3b1: {  	s0 =	simm.s32 @!p0 $0x2  }
0x3b2: {  	_ =	swait.ge @!p0 [sflag:s0], s1  }
0x3b3: {  	s1 =	ssub.s32 @!p0 $0x0, s1;
	[sflag:s0] =	ssyncset.done @!p0 $0x0  }
0x3b4: {  	[sflag:s0] =	ssyncadd.s32 @!p0 s1  }
0x3b5: {  	[bflag:$0x3] =	sbarrier.arrive $0xFFFF  }
0x3b6: {  	_ =	shalt  }

</sc_bundles>
